<compile_context>
chip_gen: v7x
topology: tpu7x:2x2x1
jax: 0.10.2.dev20260603
libtpu: 0.0.44.dev20260713+nightly
codegen_flags: <defaults>
</compile_context>

<pallas_src>
import jax
import jax.numpy as jnp
from jax import lax
from jax.experimental import pallas as pl
from jax.experimental.pallas import tpu as pltpu
from jax.experimental.pallas import tpu_sc as plsc

_NC = 2
_NS = 16
_NW = _NC * _NS
_LANES = 16

_B, _T, _D = 16, 2048, 512
_ROWS = _B * _T
_WPB = _NW // _B
_JPW = _D // _WPB
_IPW = (_T - _D) // _WPB
_CHUNK = 64
_NJ = _JPW // _CHUNK
_NK = (_JPW + _IPW) // _CHUNK
_NBUF = 3


def _jitter_body(q_hbm, nb_hbm, out_hbm, nb_v, idx_v, buf_v, gsem, ssem):
    wid = lax.axis_index("s") * _NC + lax.axis_index("c")
    b = wid // _WPB
    half = wid % _WPB

    pltpu.sync_copy(nb_hbm, nb_v)

    iota = lax.iota(jnp.int32, _LANES)
    mlo = half * (_JPW // _LANES)
    mhi = mlo + _JPW // _LANES

    def resolve(m, carry):
        t0 = m * _LANES
        nbv = nb_v[pl.ds(t0, _LANES)]
        h = jnp.where(nbv == t0 + iota - 1, -1, nbv)
        v = jnp.maximum(plsc.cummax(h), carry)

        @pl.when(m >= mlo)
        def _():
            idx_v[pl.ds((m - mlo) * _LANES, _LANES)] = b * _T + v

        return jnp.max(v)

    lax.fori_loop(0, mhi, resolve, jnp.int32(-1))

    jbase = b * _T + half * _JPW
    ibase = b * _T + _D + half * _IPW

    def dst_base(k):
        return jbase + k * _CHUNK if k < _NJ else ibase + (k - _NJ) * _CHUNK

    def fetch(k):
        buf = buf_v.at[k % _NBUF]
        if k < _NJ:
            src = q_hbm.at[idx_v.at[pl.ds(k * _CHUNK, _CHUNK)]]
        else:
            src = q_hbm.at[pl.ds(dst_base(k), _CHUNK)]
        return pltpu.async_copy(src, buf, gsem)

    fetches = [fetch(k) for k in range(_NBUF)]
    stores = [None] * _NK
    for k in range(_NK):
        fetches[k % _NBUF].wait()
        stores[k] = pltpu.async_copy(
            buf_v.at[k % _NBUF], out_hbm.at[pl.ds(dst_base(k), _CHUNK)], ssem
        )
        if k + _NBUF < _NK:
            stores[k].wait()
            fetches[k % _NBUF] = fetch(k + _NBUF)
    for k in range(_NK - _NBUF, _NK):
        stores[k].wait()


def kernel(quantized, neighbor_idx):
    q2d = quantized.reshape(_ROWS, _D)
    nb = jnp.asarray(neighbor_idx, jnp.int32)

    mesh = plsc.VectorSubcoreMesh(core_axis_name="c", subcore_axis_name="s")
    out = pl.kernel(
        _jitter_body,
        out_type=jax.ShapeDtypeStruct((_ROWS, _D), jnp.float32),
        mesh=mesh,
        scratch_types=[
            pltpu.VMEM((_D,), jnp.int32),
            pltpu.VMEM((_JPW,), jnp.int32),
            pltpu.VMEM((_NBUF, _CHUNK, _D), jnp.float32),
            pltpu.SemaphoreType.DMA,
            pltpu.SemaphoreType.DMA,
        ],
        compiler_params=pltpu.CompilerParams(needs_layout_passes=False),
    )(q2d, nb)
    return out.reshape(_B, _T, _D)

# --- scband reference (transcript-rebuilt; emitter-appended) ---
"""Pipeline reference for scband-jitter-85727547228504 (READ-ONLY COPY).

The authoritative reference and input builder live on the scoring server;
editing this copy changes nothing except your own understanding.
"""

import jax, jax.numpy as jnp
import numpy as np

PROB = 0.12

def _make_neighbor_idx(length, prob, seed=0):
    # Deterministically replay the module's np.random.choice decisions.
    rng = np.random.RandomState(seed)
    neighbor_idx = np.arange(length, dtype=np.int64)
    for i in range(length):
        replace = int(rng.choice([1, 0], p=[prob, 1.0 - prob])) == 1
        if replace:
            if i == 0:
                neighbor_idx[i] = i + 1
            elif i == length - 1:
                neighbor_idx[i] = i - 1
            else:
                neighbor_idx[i] = i + int(rng.choice([-1, 1], p=[0.5, 0.5]))
    return neighbor_idx

def setup_inputs(seed: int = 0) -> dict:
    key = jax.random.key(seed)
    B, T, D = 16, 2048, 512
    quantized = jax.random.normal(key, (B, T, D), dtype=jnp.float32)
    # length = quantized.size(2) in the original (buggy but faithful): loop runs over D indices
    neighbor_idx = _make_neighbor_idx(D, PROB, seed=0)
    return {"quantized": quantized, "neighbor_idx": neighbor_idx}

def reference(quantized, neighbor_idx):
    # Faithful translation: sequential in-place row overwrites along dim 1,
    # iterating i in range(quantized.shape[2]). Later copies may read
    # already-jittered rows, so order matters (matches torch in-place semantics).
    q = quantized
    length = q.shape[2]
    nb = jnp.asarray(neighbor_idx)

    def body(i, qq):
        nbr = nb[i]
        row = jax.lax.dynamic_slice_in_dim(qq, nbr, 1, axis=1)
        return jax.lax.dynamic_update_slice_in_dim(qq, row, i, axis=1)

    q = jax.lax.fori_loop(0, length, body, q)
    return q

if __name__ == "__main__":
    import jax
    _d = setup_inputs()
    print(jax.jit(kernel)(*tuple(_d.values())))

</pallas_src>

<mosaic_0001>
#map = affine_map<(d0, d1) -> (0, 0)>
#map1 = affine_map<(d0, d1) -> (0)>
module attributes {stable_mosaic.version = 14 : i64} {
  func.func @_jitter_body(%arg0: i32, %arg1: i32, %arg2: memref<32768x512xf32, #tpu.memory_space<hbm>>, %arg3: memref<512xi32, #tpu.memory_space<hbm>>, %arg4: memref<32768x512xf32, #tpu.memory_space<hbm>>, %arg5: memref<512xi32, #tpu.memory_space<vmem>>, %arg6: memref<256xi32, #tpu.memory_space<vmem>>, %arg7: memref<3x64x512xf32, #tpu.memory_space<vmem>>, %arg8: memref<!tpu.dma_semaphore, #tpu.memory_space<semaphore_mem>>, %arg9: memref<!tpu.dma_semaphore, #tpu.memory_space<semaphore_mem>>) attributes {dimension_semantics = [#tpu.dimension_semantics<core_parallel>, #tpu.dimension_semantics<subcore_parallel>], iteration_bounds = array<i64: 2, 16>, scalar_prefetch = 0 : i64, scratch_operands = 5 : i64, tpu.core_type = #tpu.core_type<sc_vector_subcore>, window_params = [{transform_indices = #map}, {transform_indices = #map1}, {transform_indices = #map}]} {
    %mul3A = arith.constant 2 : i32
    %mul3A_0 = arith.muli %arg1, %mul3A : i32
    %add3A = arith.addi %mul3A_0, %arg0 : i32
    %jit3A = arith.constant 2 : i32
    %div3A = arith.divsi %add3A, %jit3A : i32
    %sign3A = arith.constant 0 : i32
    %sign3A_1 = arith.cmpi sgt, %add3A, %sign3A : i32
    %sign3A_2 = arith.extui %sign3A_1 : i1 to i32
    %sign3A_3 = arith.constant 0 : i32
    %sign3A_4 = arith.cmpi slt, %add3A, %sign3A_3 : i32
    %sign3A_5 = arith.extui %sign3A_4 : i1 to i32
    %sign3A_6 = arith.subi %sign3A_2, %sign3A_5 : i32
    %sign3A_7 = arith.constant 0 : i32
    %sign3A_8 = arith.cmpi sgt, %jit3A, %sign3A_7 : i32
    %sign3A_9 = arith.extui %sign3A_8 : i1 to i32
    %sign3A_10 = arith.constant 0 : i32
    %sign3A_11 = arith.cmpi slt, %jit3A, %sign3A_10 : i32
    %sign3A_12 = arith.extui %sign3A_11 : i1 to i32
    %sign3A_13 = arith.subi %sign3A_9, %sign3A_12 : i32
    %ne3A = arith.cmpi ne, %sign3A_6, %sign3A_13 : i32
    %rem3A = arith.remsi %add3A, %jit3A : i32
    %ne3A_14 = arith.constant 0 : i32
    %ne3A_15 = arith.cmpi ne, %rem3A, %ne3A_14 : i32
    %and3A = arith.andi %ne3A, %ne3A_15 : i1
    %sub3A = arith.constant 1 : i32
    %sub3A_16 = arith.subi %div3A, %sub3A : i32
    %select_n3A = arith.select %and3A, %sub3A_16, %div3A : i32
    %jit3A_17 = arith.constant 2 : i32
    %eq3A = arith.constant 0 : i32
    %eq3A_18 = arith.cmpi eq, %jit3A_17, %eq3A : i32
    %jit3A_19 = arith.constant 1 : i32
    %select_n3A_20 = arith.select %eq3A_18, %jit3A_19, %jit3A_17 : i32
    %rem3A_21 = arith.remsi %add3A, %select_n3A_20 : i32
    %ne3A_22 = arith.constant 0 : i32
    %ne3A_23 = arith.cmpi ne, %rem3A_21, %ne3A_22 : i32
    %lt3A = arith.constant 0 : i32
    %lt3A_24 = arith.cmpi slt, %rem3A_21, %lt3A : i32
    %lt3A_25 = arith.constant 0 : i32
    %lt3A_26 = arith.cmpi slt, %select_n3A_20, %lt3A_25 : i32
    %ne3A_27 = arith.xori %lt3A_24, %lt3A_26 : i1
    %and3A_28 = arith.andi %ne3A_27, %ne3A_23 : i1
    %add3A_29 = arith.addi %rem3A_21, %select_n3A_20 : i32
    %select_n3A_30 = arith.select %and3A_28, %add3A_29, %rem3A_21 : i32
    "tpu.region"() ({
      %run_scoped3A = tpu.sem_alloc : memref<!tpu.dma_semaphore, #tpu.memory_space<semaphore_mem>>
      tpu.enqueue_dma source(%arg3 : memref<512xi32, #tpu.memory_space<hbm>>) target(%arg5 : memref<512xi32, #tpu.memory_space<vmem>>) target_semaphore(%run_scoped3A : memref<!tpu.dma_semaphore, #tpu.memory_space<semaphore_mem>>)
      tpu.wait_dma2 semaphore(%run_scoped3A : memref<!tpu.dma_semaphore, #tpu.memory_space<semaphore_mem>>) src(%arg3 : memref<512xi32, #tpu.memory_space<hbm>>) dst(%arg5 : memref<512xi32, #tpu.memory_space<vmem>>)
      tpu.yield
    }) : () -> ()
    %iota3A = tpu.iota {dimensions = array<i32: 0>} : vector<16xi32>
    %mul3A_31 = arith.constant 16 : i32
    %mul3A_32 = arith.muli %select_n3A_30, %mul3A_31 : i32
    %add3A_33 = arith.constant 16 : i32
    %add3A_34 = arith.addi %mul3A_32, %add3A_33 : i32
    %while3A = arith.constant 0 : i32
    %while3A_35 = arith.constant -1 : i32
    %while3A_36 = arith.subi %add3A_34, %while3A : i32
    %while3A_37 = arith.addi %while3A, %while3A_36 : i32
    %while3A_38 = arith.constant 1 : i32
    %while3A_39 = arith.divsi %while3A_36, %while3A_38 : i32
    %while3A_40 = arith.muli %while3A_39, %while3A_38 : i32
    %while3A_41 = arith.addi %while3A, %while3A_40 : i32
    %while3A_42 = arith.constant 1 : i32
    %while3A_43 = scf.for %while3A_920 = %while3A to %while3A_41 step %while3A_42 iter_args(%while3A_921 = %while3A_35) -> (i32)  : i32 {
      %mul3A_922 = arith.constant 16 : i32
      %mul3A_923 = arith.muli %while3A_920, %mul3A_922 : i32
      %get3A = arith.index_cast %mul3A_923 : i32 to index
      %get3A_924 = tpu.vector_load %arg5[%get3A] {strides = array<i32>} : memref<512xi32, #tpu.memory_space<vmem>>, vector<16xi32>,
      %add3A_925 = vector.broadcast %mul3A_923 : i32 to vector<16xi32>
      %add3A_926 = arith.addi %add3A_925, %iota3A : vector<16xi32>
      %sub3A_927 = arith.constant 1 : i32
      %sub3A_928 = vector.broadcast %sub3A_927 : i32 to vector<16xi32>
      %sub3A_929 = arith.subi %add3A_926, %sub3A_928 : vector<16xi32>
      %eq3A_930 = arith.cmpi eq, %get3A_924, %sub3A_929 : vector<16xi32>
      %jit3A_931 = arith.constant -1 : i32
      %broadcast_in_dim3A = vector.broadcast %jit3A_931 : i32 to vector<16xi32>
      %select_n3A_932 = arith.select %eq3A_930, %broadcast_in_dim3A, %get3A_924 : vector<16xi1>, vector<16xi32>
      %broadcast_in_dim3A_933 = arith.constant true
      %broadcast_in_dim3A_934 = vector.broadcast %broadcast_in_dim3A_933 : i1 to vector<16xi1>
      %masked_cummax3A = arith.constant -2147483648 : i32
      %masked_cummax3A_935 = vector.broadcast %masked_cummax3A : i32 to vector<16xi32>
      %masked_cummax3A_936 = arith.xori %select_n3A_932, %masked_cummax3A_935 : vector<16xi32>
      %masked_cummax3A_937 = tpu.scan <max>, %masked_cummax3A_936 masked %broadcast_in_dim3A_934 : vector<16xi32>, vector<16xi1> -> vector<16xi32>
      %masked_cummax3A_938 = arith.xori %masked_cummax3A_937, %masked_cummax3A_935 : vector<16xi32>
      %max3A = vector.broadcast %while3A_921 : i32 to vector<16xi32>
      %max3A_939 = arith.maxsi %masked_cummax3A_938, %max3A : vector<16xi32>
      %ge3A = arith.cmpi sge, %while3A_920, %mul3A_32 : i32
      %convert_element_type3A = arith.extui %ge3A : i1 to i32
      %cond3A = arith.constant 0 : i32
      %cond3A_940 = arith.cmpi ne, %convert_element_type3A, %cond3A : i32
      scf.if %cond3A_940 {
        %mul3A_948 = arith.constant 2048 : i32
        %mul3A_949 = arith.muli %select_n3A, %mul3A_948 : i32
        %add3A_950 = vector.broadcast %mul3A_949 : i32 to vector<16xi32>
        %add3A_951 = arith.addi %add3A_950, %max3A_939 : vector<16xi32>
        %sub3A_952 = arith.subi %while3A_920, %mul3A_32 : i32
        %mul3A_953 = arith.constant 16 : i32
        %mul3A_954 = arith.muli %sub3A_952, %mul3A_953 : i32
        %swap3A = arith.index_cast %mul3A_954 : i32 to index
        %swap3A_955 = tpu.vector_load %arg6[%swap3A] {strides = array<i32>} : memref<256xi32, #tpu.memory_space<vmem>>, vector<16xi32>,
        tpu.vector_store %arg6[%swap3A], %add3A_951 {strides = array<i32>} : memref<256xi32, #tpu.memory_space<vmem>>, vector<16xi32>,
      } else {
      }
      %reduce_max3A = arith.constant true
      %reduce_max3A_941 = vector.broadcast %reduce_max3A : i1 to vector<16xi1>
      %reduce_max3A_942 = arith.constant -2147483648 : i32
      %reduce_max3A_943 = vector.broadcast %reduce_max3A_942 : i32 to vector<16xi32>
      %reduce_max3A_944 = arith.xori %max3A_939, %reduce_max3A_943 : vector<16xi32>
      %reduce_max3A_945 = tpu.scan <max>, %reduce_max3A_944 masked %reduce_max3A_941 : vector<16xi32>, vector<16xi1> -> vector<16xi32>
      %reduce_max3A_946 = arith.xori %reduce_max3A_945, %reduce_max3A_943 : vector<16xi32>
      %reduce_max3A_947 = vector.extract %reduce_max3A_946[15] : i32 from vector<16xi32>
      scf.yield %reduce_max3A_947 : i32
    }
    %while3A_44 = arith.constant 1 : i32
    %while3A_45 = scf.for %while3A_920 = %while3A_41 to %while3A_37 step %while3A_44 iter_args(%while3A_921 = %while3A_43) -> (i32)  : i32 {
      %mul3A_922 = arith.constant 16 : i32
      %mul3A_923 = arith.muli %while3A_920, %mul3A_922 : i32
      %get3A = arith.index_cast %mul3A_923 : i32 to index
      %get3A_924 = tpu.vector_load %arg5[%get3A] {strides = array<i32>} : memref<512xi32, #tpu.memory_space<vmem>>, vector<16xi32>,
      %add3A_925 = vector.broadcast %mul3A_923 : i32 to vector<16xi32>
      %add3A_926 = arith.addi %add3A_925, %iota3A : vector<16xi32>
      %sub3A_927 = arith.constant 1 : i32
      %sub3A_928 = vector.broadcast %sub3A_927 : i32 to vector<16xi32>
      %sub3A_929 = arith.subi %add3A_926, %sub3A_928 : vector<16xi32>
      %eq3A_930 = arith.cmpi eq, %get3A_924, %sub3A_929 : vector<16xi32>
      %jit3A_931 = arith.constant -1 : i32
      %broadcast_in_dim3A = vector.broadcast %jit3A_931 : i32 to vector<16xi32>
      %select_n3A_932 = arith.select %eq3A_930, %broadcast_in_dim3A, %get3A_924 : vector<16xi1>, vector<16xi32>
      %broadcast_in_dim3A_933 = arith.constant true
      %broadcast_in_dim3A_934 = vector.broadcast %broadcast_in_dim3A_933 : i1 to vector<16xi1>
      %masked_cummax3A = arith.constant -2147483648 : i32
      %masked_cummax3A_935 = vector.broadcast %masked_cummax3A : i32 to vector<16xi32>
      %masked_cummax3A_936 = arith.xori %select_n3A_932, %masked_cummax3A_935 : vector<16xi32>
      %masked_cummax3A_937 = tpu.scan <max>, %masked_cummax3A_936 masked %broadcast_in_dim3A_934 : vector<16xi32>, vector<16xi1> -> vector<16xi32>
      %masked_cummax3A_938 = arith.xori %masked_cummax3A_937, %masked_cummax3A_935 : vector<16xi32>
      %max3A = vector.broadcast %while3A_921 : i32 to vector<16xi32>
      %max3A_939 = arith.maxsi %masked_cummax3A_938, %max3A : vector<16xi32>
      %ge3A = arith.cmpi sge, %while3A_920, %mul3A_32 : i32
      %convert_element_type3A = arith.extui %ge3A : i1 to i32
      %cond3A = arith.constant 0 : i32
      %cond3A_940 = arith.cmpi ne, %convert_element_type3A, %cond3A : i32
      scf.if %cond3A_940 {
        %mul3A_948 = arith.constant 2048 : i32
        %mul3A_949 = arith.muli %select_n3A, %mul3A_948 : i32
        %add3A_950 = vector.broadcast %mul3A_949 : i32 to vector<16xi32>
        %add3A_951 = arith.addi %add3A_950, %max3A_939 : vector<16xi32>
        %sub3A_952 = arith.subi %while3A_920, %mul3A_32 : i32
        %mul3A_953 = arith.constant 16 : i32
        %mul3A_954 = arith.muli %sub3A_952, %mul3A_953 : i32
        %swap3A = arith.index_cast %mul3A_954 : i32 to index
        %swap3A_955 = tpu.vector_load %arg6[%swap3A] {strides = array<i32>} : memref<256xi32, #tpu.memory_space<vmem>>, vector<16xi32>,
        tpu.vector_store %arg6[%swap3A], %add3A_951 {strides = array<i32>} : memref<256xi32, #tpu.memory_space<vmem>>, vector<16xi32>,
      } else {
      }
      %reduce_max3A = arith.constant true
      %reduce_max3A_941 = vector.broadcast %reduce_max3A : i1 to vector<16xi1>
      %reduce_max3A_942 = arith.constant -2147483648 : i32
      %reduce_max3A_943 = vector.broadcast %reduce_max3A_942 : i32 to vector<16xi32>
      %reduce_max3A_944 = arith.xori %max3A_939, %reduce_max3A_943 : vector<16xi32>
      %reduce_max3A_945 = tpu.scan <max>, %reduce_max3A_944 masked %reduce_max3A_941 : vector<16xi32>, vector<16xi1> -> vector<16xi32>
      %reduce_max3A_946 = arith.xori %reduce_max3A_945, %reduce_max3A_943 : vector<16xi32>
      %reduce_max3A_947 = vector.extract %reduce_max3A_946[15] : i32 from vector<16xi32>
      scf.yield %reduce_max3A_947 : i32
    }
    %mul3A_46 = arith.constant 2048 : i32
    %mul3A_47 = arith.muli %select_n3A, %mul3A_46 : i32
    %mul3A_48 = arith.constant 256 : i32
    %mul3A_49 = arith.muli %select_n3A_30, %mul3A_48 : i32
    %add3A_50 = arith.addi %mul3A_47, %mul3A_49 : i32
    %mul3A_51 = arith.constant 2048 : i32
    %mul3A_52 = arith.muli %select_n3A, %mul3A_51 : i32
    %add3A_53 = arith.constant 512 : i32
    %add3A_54 = arith.addi %mul3A_52, %add3A_53 : i32
    %mul3A_55 = arith.constant 768 : i32
    %mul3A_56 = arith.muli %select_n3A_30, %mul3A_55 : i32
    %add3A_57 = arith.addi %add3A_54, %mul3A_56 : i32
    %dma_start3A = arith.constant 0 : i32
    %dma_start3A_58 = arith.constant 0 : i32
    %dma_start3A_59 = arith.constant 0 : i32
    %dma_start3A_60 = tpu.memref_slice %arg7[%dma_start3A, %dma_start3A_58, %dma_start3A_59] : memref<3x64x512xf32, #tpu.memory_space<vmem>> -> memref<1x64x512xf32, #tpu.memory_space<vmem>>
    %dma_start3A_61 = tpu.memref_squeeze %dma_start3A_60 : memref<1x64x512xf32, #tpu.memory_space<vmem>> -> memref<64x512xf32, #tpu.memory_space<vmem>>
    %dma_start3A_62 = arith.constant 0 : i32
    %dma_start3A_63 = tpu.memref_slice %arg6[%dma_start3A_62] : memref<256xi32, #tpu.memory_space<vmem>> -> memref<64xi32, #tpu.memory_space<vmem>>
    %dma_start3A_64 = arith.constant 0 : i32
    %dma_start3A_65 = arith.constant 0 : i32
    %dma_start3A_66 = tpu.memref_slice %arg2[%dma_start3A_64, %dma_start3A_65] : memref<32768x512xf32, #tpu.memory_space<hbm>> -> memref<32768x512xf32, #tpu.memory_space<hbm>>
    tpu.enqueue_indirect_dma source(%dma_start3A_66 : memref<32768x512xf32, #tpu.memory_space<hbm>>) target(%dma_start3A_61 : memref<64x512xf32, #tpu.memory_space<vmem>>) offsets(%dma_start3A_63 : memref<64xi32, #tpu.memory_space<vmem>>) semaphore(%arg8 : memref<!tpu.dma_semaphore, #tpu.memory_space<semaphore_mem>>)
    %dma_start3A_67 = arith.constant 1 : i32
    %dma_start3A_68 = arith.constant 0 : i32
    %dma_start3A_69 = arith.constant 0 : i32
    %dma_start3A_70 = tpu.memref_slice %arg7[%dma_start3A_67, %dma_start3A_68, %dma_start3A_69] : memref<3x64x512xf32, #tpu.memory_space<vmem>> -> memref<1x64x512xf32, #tpu.memory_space<vmem>>
    %dma_start3A_71 = tpu.memref_squeeze %dma_start3A_70 : memref<1x64x512xf32, #tpu.memory_space<vmem>> -> memref<64x512xf32, #tpu.memory_space<vmem>>
    %dma_start3A_72 = arith.constant 64 : i32
    %dma_start3A_73 = tpu.memref_slice %arg6[%dma_start3A_72] : memref<256xi32, #tpu.memory_space<vmem>> -> memref<64xi32, #tpu.memory_space<vmem>>
    %dma_start3A_74 = arith.constant 0 : i32
    %dma_start3A_75 = arith.constant 0 : i32
    %dma_start3A_76 = tpu.memref_slice %arg2[%dma_start3A_74, %dma_start3A_75] : memref<32768x512xf32, #tpu.memory_space<hbm>> -> memref<32768x512xf32, #tpu.memory_space<hbm>>
    tpu.enqueue_indirect_dma source(%dma_start3A_76 : memref<32768x512xf32, #tpu.memory_space<hbm>>) target(%dma_start3A_71 : memref<64x512xf32, #tpu.memory_space<vmem>>) offsets(%dma_start3A_73 : memref<64xi32, #tpu.memory_space<vmem>>) semaphore(%arg8 : memref<!tpu.dma_semaphore, #tpu.memory_space<semaphore_mem>>)
    %dma_start3A_77 = arith.constant 2 : i32
    %dma_start3A_78 = arith.constant 0 : i32
    %dma_start3A_79 = arith.constant 0 : i32
    %dma_start3A_80 = tpu.memref_slice %arg7[%dma_start3A_77, %dma_start3A_78, %dma_start3A_79] : memref<3x64x512xf32, #tpu.memory_space<vmem>> -> memref<1x64x512xf32, #tpu.memory_space<vmem>>
    %dma_start3A_81 = tpu.memref_squeeze %dma_start3A_80 : memref<1x64x512xf32, #tpu.memory_space<vmem>> -> memref<64x512xf32, #tpu.memory_space<vmem>>
    %dma_start3A_82 = arith.constant 128 : i32
    %dma_start3A_83 = tpu.memref_slice %arg6[%dma_start3A_82] : memref<256xi32, #tpu.memory_space<vmem>> -> memref<64xi32, #tpu.memory_space<vmem>>
    %dma_start3A_84 = arith.constant 0 : i32
    %dma_start3A_85 = arith.constant 0 : i32
    %dma_start3A_86 = tpu.memref_slice %arg2[%dma_start3A_84, %dma_start3A_85] : memref<32768x512xf32, #tpu.memory_space<hbm>> -> memref<32768x512xf32, #tpu.memory_space<hbm>>
    tpu.enqueue_indirect_dma source(%dma_start3A_86 : memref<32768x512xf32, #tpu.memory_space<hbm>>) target(%dma_start3A_81 : memref<64x512xf32, #tpu.memory_space<vmem>>) offsets(%dma_start3A_83 : memref<64xi32, #tpu.memory_space<vmem>>) semaphore(%arg8 : memref<!tpu.dma_semaphore, #tpu.memory_space<semaphore_mem>>)
    %dma_wait3A = arith.constant 0 : i32
    %dma_wait3A_87 = arith.constant 0 : i32
    %dma_wait3A_88 = arith.constant 0 : i32
    %dma_wait3A_89 = tpu.memref_slice %arg7[%dma_wait3A, %dma_wait3A_87, %dma_wait3A_88] : memref<3x64x512xf32, #tpu.memory_space<vmem>> -> memref<1x64x512xf32, #tpu.memory_space<vmem>>
    %dma_wait3A_90 = tpu.memref_squeeze %dma_wait3A_89 : memref<1x64x512xf32, #tpu.memory_space<vmem>> -> memref<64x512xf32, #tpu.memory_space<vmem>>
    %dma_wait3A_91 = arith.constant 0 : i32
    %dma_wait3A_92 = tpu.memref_slice %arg6[%dma_wait3A_91] : memref<256xi32, #tpu.memory_space<vmem>> -> memref<64xi32, #tpu.memory_space<vmem>>
    %dma_wait3A_93 = arith.constant 0 : i32
    %dma_wait3A_94 = arith.constant 0 : i32
    %dma_wait3A_95 = tpu.memref_slice %arg2[%dma_wait3A_93, %dma_wait3A_94] : memref<32768x512xf32, #tpu.memory_space<hbm>> -> memref<32768x512xf32, #tpu.memory_space<hbm>>
    tpu.wait_indirect_dma semaphore(%arg8 : memref<!tpu.dma_semaphore, #tpu.memory_space<semaphore_mem>>) src(%dma_wait3A_95 : memref<32768x512xf32, #tpu.memory_space<hbm>>) dst(%dma_wait3A_90 : memref<64x512xf32, #tpu.memory_space<vmem>>)
    %add3A_96 = arith.constant 0 : i32
    %add3A_97 = arith.addi %add3A_50, %add3A_96 : i32
    %dma_start3A_98 = arith.constant 0 : i32
    %dma_start3A_99 = arith.constant 0 : i32
    %dma_start3A_100 = arith.constant 0 : i32
    %dma_start3A_101 = tpu.memref_slice %arg7[%dma_start3A_98, %dma_start3A_99, %dma_start3A_100] : memref<3x64x512xf32, #tpu.memory_space<vmem>> -> memref<1x64x512xf32, #tpu.memory_space<vmem>>
    %dma_start3A_102 = tpu.memref_squeeze %dma_start3A_101 : memref<1x64x512xf32, #tpu.memory_space<vmem>> -> memref<64x512xf32, #tpu.memory_space<vmem>>
    %dma_start3A_103 = arith.constant 0 : i32
    %dma_start3A_104 = tpu.memref_slice %arg4[%add3A_97, %dma_start3A_103] : memref<32768x512xf32, #tpu.memory_space<hbm>> -> memref<64x512xf32, #tpu.memory_space<hbm>>
    %dma_start3A_105 = arith.constant 0 : i32
    %dma_start3A_106 = tpu.memref_slice %arg4[%add3A_97, %dma_start3A_105] : memref<32768x512xf32, #tpu.memory_space<hbm>> -> memref<64x512xf32, #tpu.memory_space<hbm>>
    %dma_start3A_107 = arith.constant 0 : i32
    %dma_start3A_108 = arith.constant 0 : i32
    %dma_start3A_109 = tpu.memref_slice %arg7[%dma_start3A_98, %dma_start3A_107, %dma_start3A_108] : memref<3x64x512xf32, #tpu.memory_space<vmem>> -> memref<1x64x512xf32, #tpu.memory_space<vmem>>
    %dma_start3A_110 = tpu.memref_squeeze %dma_start3A_109 : memref<1x64x512xf32, #tpu.memory_space<vmem>> -> memref<64x512xf32, #tpu.memory_space<vmem>>
    tpu.enqueue_dma source(%dma_start3A_110 : memref<64x512xf32, #tpu.memory_space<vmem>>) target(%dma_start3A_106 : memref<64x512xf32, #tpu.memory_space<hbm>>) target_semaphore(%arg9 : memref<!tpu.dma_semaphore, #tpu.memory_space<semaphore_mem>>)
    %dma_wait3A_111 = arith.constant 0 : i32
    %dma_wait3A_112 = arith.constant 0 : i32
    %dma_wait3A_113 = arith.constant 0 : i32
    %dma_wait3A_114 = tpu.memref_slice %arg7[%dma_wait3A_111, %dma_wait3A_112, %dma_wait3A_113] : memref<3x64x512xf32, #tpu.memory_space<vmem>> -> memref<1x64x512xf32, #tpu.memory_space<vmem>>
    %dma_wait3A_115 = tpu.memref_squeeze %dma_wait3A_114 : memref<1x64x512xf32, #tpu.memory_space<vmem>> -> memref<64x512xf32, #tpu.memory_space<vmem>>
    %dma_wait3A_116 = arith.constant 0 : i32
    %dma_wait3A_117 = tpu.memref_slice %arg4[%add3A_97, %dma_wait3A_116] : memref<32768x512xf32, #tpu.memory_space<hbm>> -> memref<64x512xf32, #tpu.memory_space<hbm>>
    %dma_wait3A_118 = arith.constant 0 : i32
    %dma_wait3A_119 = tpu.memref_slice %arg4[%add3A_97, %dma_wait3A_118] : memref<32768x512xf32, #tpu.memory_space<hbm>> -> memref<64x512xf32, #tpu.memory_space<hbm>>
    %dma_wait3A_120 = arith.constant 0 : i32
    %dma_wait3A_121 = arith.constant 0 : i32
    %dma_wait3A_122 = tpu.memref_slice %arg7[%dma_wait3A_111, %dma_wait3A_120, %dma_wait3A_121] : memref<3x64x512xf32, #tpu.memory_space<vmem>> -> memref<1x64x512xf32, #tpu.memory_space<vmem>>
    %dma_wait3A_123 = tpu.memref_squeeze %dma_wait3A_122 : memref<1x64x512xf32, #tpu.memory_space<vmem>> -> memref<64x512xf32, #tpu.memory_space<vmem>>
    tpu.wait_dma2 semaphore(%arg9 : memref<!tpu.dma_semaphore, #tpu.memory_space<semaphore_mem>>) src(%dma_wait3A_123 : memref<64x512xf32, #tpu.memory_space<vmem>>) dst(%dma_wait3A_119 : memref<64x512xf32, #tpu.memory_space<hbm>>)
    %dma_start3A_124 = arith.constant 0 : i32
    %dma_start3A_125 = arith.constant 0 : i32
    %dma_start3A_126 = arith.constant 0 : i32
    %dma_start3A_127 = tpu.memref_slice %arg7[%dma_start3A_124, %dma_start3A_125, %dma_start3A_126] : memref<3x64x512xf32, #tpu.memory_space<vmem>> -> memref<1x64x512xf32, #tpu.memory_space<vmem>>
    %dma_start3A_128 = tpu.memref_squeeze %dma_start3A_127 : memref<1x64x512xf32, #tpu.memory_space<vmem>> -> memref<64x512xf32, #tpu.memory_space<vmem>>
    %dma_start3A_129 = arith.constant 192 : i32
    %dma_start3A_130 = tpu.memref_slice %arg6[%dma_start3A_129] : memref<256xi32, #tpu.memory_space<vmem>> -> memref<64xi32, #tpu.memory_space<vmem>>
    %dma_start3A_131 = arith.constant 0 : i32
    %dma_start3A_132 = arith.constant 0 : i32
    %dma_start3A_133 = tpu.memref_slice %arg2[%dma_start3A_131, %dma_start3A_132] : memref<32768x512xf32, #tpu.memory_space<hbm>> -> memref<32768x512xf32, #tpu.memory_space<hbm>>
    tpu.enqueue_indirect_dma source(%dma_start3A_133 : memref<32768x512xf32, #tpu.memory_space<hbm>>) target(%dma_start3A_128 : memref<64x512xf32, #tpu.memory_space<vmem>>) offsets(%dma_start3A_130 : memref<64xi32, #tpu.memory_space<vmem>>) semaphore(%arg8 : memref<!tpu.dma_semaphore, #tpu.memory_space<semaphore_mem>>)
    %dma_wait3A_134 = arith.constant 1 : i32
    %dma_wait3A_135 = arith.constant 0 : i32
    %dma_wait3A_136 = arith.constant 0 : i32
    %dma_wait3A_137 = tpu.memref_slice %arg7[%dma_wait3A_134, %dma_wait3A_135, %dma_wait3A_136] : memref<3x64x512xf32, #tpu.memory_space<vmem>> -> memref<1x64x512xf32, #tpu.memory_space<vmem>>
    %dma_wait3A_138 = tpu.memref_squeeze %dma_wait3A_137 : memref<1x64x512xf32, #tpu.memory_space<vmem>> -> memref<64x512xf32, #tpu.memory_space<vmem>>
    %dma_wait3A_139 = arith.constant 64 : i32
    %dma_wait3A_140 = tpu.memref_slice %arg6[%dma_wait3A_139] : memref<256xi32, #tpu.memory_space<vmem>> -> memref<64xi32, #tpu.memory_space<vmem>>
    %dma_wait3A_141 = arith.constant 0 : i32
    %dma_wait3A_142 = arith.constant 0 : i32
    %dma_wait3A_143 = tpu.memref_slice %arg2[%dma_wait3A_141, %dma_wait3A_142] : memref<32768x512xf32, #tpu.memory_space<hbm>> -> memref<32768x512xf32, #tpu.memory_space<hbm>>
    tpu.wait_indirect_dma semaphore(%arg8 : memref<!tpu.dma_semaphore, #tpu.memory_space<semaphore_mem>>) src(%dma_wait3A_143 : memref<32768x512xf32, #tpu.memory_space<hbm>>) dst(%dma_wait3A_138 : memref<64x512xf32, #tpu.memory_space<vmem>>)
    %add3A_144 = arith.constant 64 : i32
    %add3A_145 = arith.addi %add3A_50, %add3A_144 : i32
    %dma_start3A_146 = arith.constant 1 : i32
    %dma_start3A_147 = arith.constant 0 : i32
    %dma_start3A_148 = arith.constant 0 : i32
    %dma_start3A_149 = tpu.memref_slice %arg7[%dma_start3A_146, %dma_start3A_147, %dma_start3A_148] : memref<3x64x512xf32, #tpu.memory_space<vmem>> -> memref<1x64x512xf32, #tpu.memory_space<vmem>>
    %dma_start3A_150 = tpu.memref_squeeze %dma_start3A_149 : memref<1x64x512xf32, #tpu.memory_space<vmem>> -> memref<64x512xf32, #tpu.memory_space<vmem>>
    %dma_start3A_151 = arith.constant 0 : i32
    %dma_start3A_152 = tpu.memref_slice %arg4[%add3A_145, %dma_start3A_151] : memref<32768x512xf32, #tpu.memory_space<hbm>> -> memref<64x512xf32, #tpu.memory_space<hbm>>
    %dma_start3A_153 = arith.constant 0 : i32
    %dma_start3A_154 = tpu.memref_slice %arg4[%add3A_145, %dma_start3A_153] : memref<32768x512xf32, #tpu.memory_space<hbm>> -> memref<64x512xf32, #tpu.memory_space<hbm>>
    %dma_start3A_155 = arith.constant 0 : i32
    %dma_start3A_156 = arith.constant 0 : i32
    %dma_start3A_157 = tpu.memref_slice %arg7[%dma_start3A_146, %dma_start3A_155, %dma_start3A_156] : memref<3x64x512xf32, #tpu.memory_space<vmem>> -> memref<1x64x512xf32, #tpu.memory_space<vmem>>
    %dma_start3A_158 = tpu.memref_squeeze %dma_start3A_157 : memref<1x64x512xf32, #tpu.memory_space<vmem>> -> memref<64x512xf32, #tpu.memory_space<vmem>>
    tpu.enqueue_dma source(%dma_start3A_158 : memref<64x512xf32, #tpu.memory_space<vmem>>) target(%dma_start3A_154 : memref<64x512xf32, #tpu.memory_space<hbm>>) target_semaphore(%arg9 : memref<!tpu.dma_semaphore, #tpu.memory_space<semaphore_mem>>)
    %dma_wait3A_159 = arith.constant 1 : i32
    %dma_wait3A_160 = arith.constant 0 : i32
    %dma_wait3A_161 = arith.constant 0 : i32
    %dma_wait3A_162 = tpu.memref_slice %arg7[%dma_wait3A_159, %dma_wait3A_160, %dma_wait3A_161] : memref<3x64x512xf32, #tpu.memory_space<vmem>> -> memref<1x64x512xf32, #tpu.memory_space<vmem>>
    %dma_wait3A_163 = tpu.memref_squeeze %dma_wait3A_162 : memref<1x64x512xf32, #tpu.memory_space<vmem>> -> memref<64x512xf32, #tpu.memory_space<vmem>>
    %dma_wait3A_164 = arith.constant 0 : i32
    %dma_wait3A_165 = tpu.memref_slice %arg4[%add3A_145, %dma_wait3A_164] : memref<32768x512xf32, #tpu.memory_space<hbm>> -> memref<64x512xf32, #tpu.memory_space<hbm>>
    %dma_wait3A_166 = arith.constant 0 : i32
    %dma_wait3A_167 = tpu.memref_slice %arg4[%add3A_145, %dma_wait3A_166] : memref<32768x512xf32, #tpu.memory_space<hbm>> -> memref<64x512xf32, #tpu.memory_space<hbm>>
    %dma_wait3A_168 = arith.constant 0 : i32
    %dma_wait3A_169 = arith.constant 0 : i32
    %dma_wait3A_170 = tpu.memref_slice %arg7[%dma_wait3A_159, %dma_wait3A_168, %dma_wait3A_169] : memref<3x64x512xf32, #tpu.memory_space<vmem>> -> memref<1x64x512xf32, #tpu.memory_space<vmem>>
    %dma_wait3A_171 = tpu.memref_squeeze %dma_wait3A_170 : memref<1x64x512xf32, #tpu.memory_space<vmem>> -> memref<64x512xf32, #tpu.memory_space<vmem>>
    tpu.wait_dma2 semaphore(%arg9 : memref<!tpu.dma_semaphore, #tpu.memory_space<semaphore_mem>>) src(%dma_wait3A_171 : memref<64x512xf32, #tpu.memory_space<vmem>>) dst(%dma_wait3A_167 : memref<64x512xf32, #tpu.memory_space<hbm>>)
    %add3A_172 = arith.constant 0 : i32
    %add3A_173 = arith.addi %add3A_57, %add3A_172 : i32
    %dma_start3A_174 = arith.constant 1 : i32
    %dma_start3A_175 = arith.constant 0 : i32
    %dma_start3A_176 = arith.constant 0 : i32
    %dma_start3A_177 = tpu.memref_slice %arg7[%dma_start3A_174, %dma_start3A_175, %dma_start3A_176] : memref<3x64x512xf32, #tpu.memory_space<vmem>> -> memref<1x64x512xf32, #tpu.memory_space<vmem>>
    %dma_start3A_178 = tpu.memref_squeeze %dma_start3A_177 : memref<1x64x512xf32, #tpu.memory_space<vmem>> -> memref<64x512xf32, #tpu.memory_space<vmem>>
    %dma_start3A_179 = arith.constant 0 : i32
    %dma_start3A_180 = tpu.memref_slice %arg2[%add3A_173, %dma_start3A_179] : memref<32768x512xf32, #tpu.memory_space<hbm>> -> memref<64x512xf32, #tpu.memory_space<hbm>>
    %dma_start3A_181 = arith.constant 0 : i32
    %dma_start3A_182 = arith.constant 0 : i32
    %dma_start3A_183 = tpu.memref_slice %arg7[%dma_start3A_174, %dma_start3A_181, %dma_start3A_182] : memref<3x64x512xf32, #tpu.memory_space<vmem>> -> memref<1x64x512xf32, #tpu.memory_space<vmem>>
    %dma_start3A_184 = tpu.memref_squeeze %dma_start3A_183 : memref<1x64x512xf32, #tpu.memory_space<vmem>> -> memref<64x512xf32, #tpu.memory_space<vmem>>
    %dma_start3A_185 = arith.constant 0 : i32
    %dma_start3A_186 = tpu.memref_slice %arg2[%add3A_173, %dma_start3A_185] : memref<32768x512xf32, #tpu.memory_space<hbm>> -> memref<64x512xf32, #tpu.memory_space<hbm>>
    tpu.enqueue_dma source(%dma_start3A_186 : memref<64x512xf32, #tpu.memory_space<hbm>>) target(%dma_start3A_184 : memref<64x512xf32, #tpu.memory_space<vmem>>) target_semaphore(%arg8 : memref<!tpu.dma_semaphore, #tpu.memory_space<semaphore_mem>>)
    %dma_wait3A_187 = arith.constant 2 : i32
    %dma_wait3A_188 = arith.constant 0 : i32
    %dma_wait3A_189 = arith.constant 0 : i32
    %dma_wait3A_190 = tpu.memref_slice %arg7[%dma_wait3A_187, %dma_wait3A_188, %dma_wait3A_189] : memref<3x64x512xf32, #tpu.memory_space<vmem>> -> memref<1x64x512xf32, #tpu.memory_space<vmem>>
    %dma_wait3A_191 = tpu.memref_squeeze %dma_wait3A_190 : memref<1x64x512xf32, #tpu.memory_space<vmem>> -> memref<64x512xf32, #tpu.memory_space<vmem>>
    %dma_wait3A_192 = arith.constant 128 : i32
    %dma_wait3A_193 = tpu.memref_slice %arg6[%dma_wait3A_192] : memref<256xi32, #tpu.memory_space<vmem>> -> memref<64xi32, #tpu.memory_space<vmem>>
    %dma_wait3A_194 = arith.constant 0 : i32
    %dma_wait3A_195 = arith.constant 0 : i32
    %dma_wait3A_196 = tpu.memref_slice %arg2[%dma_wait3A_194, %dma_wait3A_195] : memref<32768x512xf32, #tpu.memory_space<hbm>> -> memref<32768x512xf32, #tpu.memory_space<hbm>>
    tpu.wait_indirect_dma semaphore(%arg8 : memref<!tpu.dma_semaphore, #tpu.memory_space<semaphore_mem>>) src(%dma_wait3A_196 : memref<32768x512xf32, #tpu.memory_space<hbm>>) dst(%dma_wait3A_191 : memref<64x512xf32, #tpu.memory_space<vmem>>)
    %add3A_197 = arith.constant 128 : i32
    %add3A_198 = arith.addi %add3A_50, %add3A_197 : i32
    %dma_start3A_199 = arith.constant 2 : i32
    %dma_start3A_200 = arith.constant 0 : i32
    %dma_start3A_201 = arith.constant 0 : i32
    %dma_start3A_202 = tpu.memref_slice %arg7[%dma_start3A_199, %dma_start3A_200, %dma_start3A_201] : memref<3x64x512xf32, #tpu.memory_space<vmem>> -> memref<1x64x512xf32, #tpu.memory_space<vmem>>
    %dma_start3A_203 = tpu.memref_squeeze %dma_start3A_202 : memref<1x64x512xf32, #tpu.memory_space<vmem>> -> memref<64x512xf32, #tpu.memory_space<vmem>>
    %dma_start3A_204 = arith.constant 0 : i32
    %dma_start3A_205 = tpu.memref_slice %arg4[%add3A_198, %dma_start3A_204] : memref<32768x512xf32, #tpu.memory_space<hbm>> -> memref<64x512xf32, #tpu.memory_space<hbm>>
    %dma_start3A_206 = arith.constant 0 : i32
    %dma_start3A_207 = tpu.memref_slice %arg4[%add3A_198, %dma_start3A_206] : memref<32768x512xf32, #tpu.memory_space<hbm>> -> memref<64x512xf32, #tpu.memory_space<hbm>>
    %dma_start3A_208 = arith.constant 0 : i32
    %dma_start3A_209 = arith.constant 0 : i32
    %dma_start3A_210 = tpu.memref_slice %arg7[%dma_start3A_199, %dma_start3A_208, %dma_start3A_209] : memref<3x64x512xf32, #tpu.memory_space<vmem>> -> memref<1x64x512xf32, #tpu.memory_space<vmem>>
    %dma_start3A_211 = tpu.memref_squeeze %dma_start3A_210 : memref<1x64x512xf32, #tpu.memory_space<vmem>> -> memref<64x512xf32, #tpu.memory_space<vmem>>
    tpu.enqueue_dma source(%dma_start3A_211 : memref<64x512xf32, #tpu.memory_space<vmem>>) target(%dma_start3A_207 : memref<64x512xf32, #tpu.memory_space<hbm>>) target_semaphore(%arg9 : memref<!tpu.dma_semaphore, #tpu.memory_space<semaphore_mem>>)
    %dma_wait3A_212 = arith.constant 2 : i32
    %dma_wait3A_213 = arith.constant 0 : i32
    %dma_wait3A_214 = arith.constant 0 : i32
    %dma_wait3A_215 = tpu.memref_slice %arg7[%dma_wait3A_212, %dma_wait3A_213, %dma_wait3A_214] : memref<3x64x512xf32, #tpu.memory_space<vmem>> -> memref<1x64x512xf32, #tpu.memory_space<vmem>>
    %dma_wait3A_216 = tpu.memref_squeeze %dma_wait3A_215 : memref<1x64x512xf32, #tpu.memory_space<vmem>> -> memref<64x512xf32, #tpu.memory_space<vmem>>
    %dma_wait3A_217 = arith.constant 0 : i32
    %dma_wait3A_218 = tpu.memref_slice %arg4[%add3A_198, %dma_wait3A_217] : memref<32768x512xf32, #tpu.memory_space<hbm>> -> memref<64x512xf32, #tpu.memory_space<hbm>>
    %dma_wait3A_219 = arith.constant 0 : i32
    %dma_wait3A_220 = tpu.memref_slice %arg4[%add3A_198, %dma_wait3A_219] : memref<32768x512xf32, #tpu.memory_space<hbm>> -> memref<64x512xf32, #tpu.memory_space<hbm>>
    %dma_wait3A_221 = arith.constant 0 : i32
    %dma_wait3A_222 = arith.constant 0 : i32
    %dma_wait3A_223 = tpu.memref_slice %arg7[%dma_wait3A_212, %dma_wait3A_221, %dma_wait3A_222] : memref<3x64x512xf32, #tpu.memory_space<vmem>> -> memref<1x64x512xf32, #tpu.memory_space<vmem>>
    %dma_wait3A_224 = tpu.memref_squeeze %dma_wait3A_223 : memref<1x64x512xf32, #tpu.memory_space<vmem>> -> memref<64x512xf32, #tpu.memory_space<vmem>>
    tpu.wait_dma2 semaphore(%arg9 : memref<!tpu.dma_semaphore, #tpu.memory_space<semaphore_mem>>) src(%dma_wait3A_224 : memref<64x512xf32, #tpu.memory_space<vmem>>) dst(%dma_wait3A_220 : memref<64x512xf32, #tpu.memory_space<hbm>>)
    %add3A_225 = arith.constant 64 : i32
    %add3A_226 = arith.addi %add3A_57, %add3A_225 : i32
    %dma_start3A_227 = arith.constant 2 : i32
    %dma_start3A_228 = arith.constant 0 : i32
    %dma_start3A_229 = arith.constant 0 : i32
    %dma_start3A_230 = tpu.memref_slice %arg7[%dma_start3A_227, %dma_start3A_228, %dma_start3A_229] : memref<3x64x512xf32, #tpu.memory_space<vmem>> -> memref<1x64x512xf32, #tpu.memory_space<vmem>>
    %dma_start3A_231 = tpu.memref_squeeze %dma_start3A_230 : memref<1x64x512xf32, #tpu.memory_space<vmem>> -> memref<64x512xf32, #tpu.memory_space<vmem>>
    %dma_start3A_232 = arith.constant 0 : i32
    %dma_start3A_233 = tpu.memref_slice %arg2[%add3A_226, %dma_start3A_232] : memref<32768x512xf32, #tpu.memory_space<hbm>> -> memref<64x512xf32, #tpu.memory_space<hbm>>
    %dma_start3A_234 = arith.constant 0 : i32
    %dma_start3A_235 = arith.constant 0 : i32
    %dma_start3A_236 = tpu.memref_slice %arg7[%dma_start3A_227, %dma_start3A_234, %dma_start3A_235] : memref<3x64x512xf32, #tpu.memory_space<vmem>> -> memref<1x64x512xf32, #tpu.memory_space<vmem>>
    %dma_start3A_237 = tpu.memref_squeeze %dma_start3A_236 : memref<1x64x512xf32, #tpu.memory_space<vmem>> -> memref<64x512xf32, #tpu.memory_space<vmem>>
    %dma_start3A_238 = arith.constant 0 : i32
    %dma_start3A_239 = tpu.memref_slice %arg2[%add3A_226, %dma_start3A_238] : memref<32768x512xf32, #tpu.memory_space<hbm>> -> memref<64x512xf32, #tpu.memory_space<hbm>>
    tpu.enqueue_dma source(%dma_start3A_239 : memref<64x512xf32, #tpu.memory_space<hbm>>) target(%dma_start3A_237 : memref<64x512xf32, #tpu.memory_space<vmem>>) target_semaphore(%arg8 : memref<!tpu.dma_semaphore, #tpu.memory_space<semaphore_mem>>)
    %dma_wait3A_240 = arith.constant 0 : i32
    %dma_wait3A_241 = arith.constant 0 : i32
    %dma_wait3A_242 = arith.constant 0 : i32
    %dma_wait3A_243 = tpu.memref_slice %arg7[%dma_wait3A_240, %dma_wait3A_241, %dma_wait3A_242] : memref<3x64x512xf32, #tpu.memory_space<vmem>> -> memref<1x64x512xf32, #tpu.memory_space<vmem>>
    %dma_wait3A_244 = tpu.memref_squeeze %dma_wait3A_243 : memref<1x64x512xf32, #tpu.memory_space<vmem>> -> memref<64x512xf32, #tpu.memory_space<vmem>>
    %dma_wait3A_245 = arith.constant 192 : i32
    %dma_wait3A_246 = tpu.memref_slice %arg6[%dma_wait3A_245] : memref<256xi32, #tpu.memory_space<vmem>> -> memref<64xi32, #tpu.memory_space<vmem>>
    %dma_wait3A_247 = arith.constant 0 : i32
    %dma_wait3A_248 = arith.constant 0 : i32
    %dma_wait3A_249 = tpu.memref_slice %arg2[%dma_wait3A_247, %dma_wait3A_248] : memref<32768x512xf32, #tpu.memory_space<hbm>> -> memref<32768x512xf32, #tpu.memory_space<hbm>>
    tpu.wait_indirect_dma semaphore(%arg8 : memref<!tpu.dma_semaphore, #tpu.memory_space<semaphore_mem>>) src(%dma_wait3A_249 : memref<32768x512xf32, #tpu.memory_space<hbm>>) dst(%dma_wait3A_244 : memref<64x512xf32, #tpu.memory_space<vmem>>)
    %add3A_250 = arith.constant 192 : i32
    %add3A_251 = arith.addi %add3A_50, %add3A_250 : i32
    %dma_start3A_252 = arith.constant 0 : i32
    %dma_start3A_253 = arith.constant 0 : i32
    %dma_start3A_254 = arith.constant 0 : i32
    %dma_start3A_255 = tpu.memref_slice %arg7[%dma_start3A_252, %dma_start3A_253, %dma_start3A_254] : memref<3x64x512xf32, #tpu.memory_space<vmem>> -> memref<1x64x512xf32, #tpu.memory_space<vmem>>
    %dma_start3A_256 = tpu.memref_squeeze %dma_start3A_255 : memref<1x64x512xf32, #tpu.memory_space<vmem>> -> memref<64x512xf32, #tpu.memory_space<vmem>>
    %dma_start3A_257 = arith.constant 0 : i32
    %dma_start3A_258 = tpu.memref_slice %arg4[%add3A_251, %dma_start3A_257] : memref<32768x512xf32, #tpu.memory_space<hbm>> -> memref<64x512xf32, #tpu.memory_space<hbm>>
    %dma_start3A_259 = arith.constant 0 : i32
    %dma_start3A_260 = tpu.memref_slice %arg4[%add3A_251, %dma_start3A_259] : memref<32768x512xf32, #tpu.memory_space<hbm>> -> memref<64x512xf32, #tpu.memory_space<hbm>>
    %dma_start3A_261 = arith.constant 0 : i32
    %dma_start3A_262 = arith.constant 0 : i32
    %dma_start3A_263 = tpu.memref_slice %arg7[%dma_start3A_252, %dma_start3A_261, %dma_start3A_262] : memref<3x64x512xf32, #tpu.memory_space<vmem>> -> memref<1x64x512xf32, #tpu.memory_space<vmem>>
    %dma_start3A_264 = tpu.memref_squeeze %dma_start3A_263 : memref<1x64x512xf32, #tpu.memory_space<vmem>> -> memref<64x512xf32, #tpu.memory_space<vmem>>
    tpu.enqueue_dma source(%dma_start3A_264 : memref<64x512xf32, #tpu.memory_space<vmem>>) target(%dma_start3A_260 : memref<64x512xf32, #tpu.memory_space<hbm>>) target_semaphore(%arg9 : memref<!tpu.dma_semaphore, #tpu.memory_space<semaphore_mem>>)
    %dma_wait3A_265 = arith.constant 0 : i32
    %dma_wait3A_266 = arith.constant 0 : i32
    %dma_wait3A_267 = arith.constant 0 : i32
    %dma_wait3A_268 = tpu.memref_slice %arg7[%dma_wait3A_265, %dma_wait3A_266, %dma_wait3A_267] : memref<3x64x512xf32, #tpu.memory_space<vmem>> -> memref<1x64x512xf32, #tpu.memory_space<vmem>>
    %dma_wait3A_269 = tpu.memref_squeeze %dma_wait3A_268 : memref<1x64x512xf32, #tpu.memory_space<vmem>> -> memref<64x512xf32, #tpu.memory_space<vmem>>
    %dma_wait3A_270 = arith.constant 0 : i32
    %dma_wait3A_271 = tpu.memref_slice %arg4[%add3A_251, %dma_wait3A_270] : memref<32768x512xf32, #tpu.memory_space<hbm>> -> memref<64x512xf32, #tpu.memory_space<hbm>>
    %dma_wait3A_272 = arith.constant 0 : i32
    %dma_wait3A_273 = tpu.memref_slice %arg4[%add3A_251, %dma_wait3A_272] : memref<32768x512xf32, #tpu.memory_space<hbm>> -> memref<64x512xf32, #tpu.memory_space<hbm>>
    %dma_wait3A_274 = arith.constant 0 : i32
    %dma_wait3A_275 = arith.constant 0 : i32
    %dma_wait3A_276 = tpu.memref_slice %arg7[%dma_wait3A_265, %dma_wait3A_274, %dma_wait3A_275] : memref<3x64x512xf32, #tpu.memory_space<vmem>> -> memref<1x64x512xf32, #tpu.memory_space<vmem>>
    %dma_wait3A_277 = tpu.memref_squeeze %dma_wait3A_276 : memref<1x64x512xf32, #tpu.memory_space<vmem>> -> memref<64x512xf32, #tpu.memory_space<vmem>>
    tpu.wait_dma2 semaphore(%arg9 : memref<!tpu.dma_semaphore, #tpu.memory_space<semaphore_mem>>) src(%dma_wait3A_277 : memref<64x512xf32, #tpu.memory_space<vmem>>) dst(%dma_wait3A_273 : memref<64x512xf32, #tpu.memory_space<hbm>>)
    %add3A_278 = arith.constant 128 : i32
    %add3A_279 = arith.addi %add3A_57, %add3A_278 : i32
    %dma_start3A_280 = arith.constant 0 : i32
    %dma_start3A_281 = arith.constant 0 : i32
    %dma_start3A_282 = arith.constant 0 : i32
    %dma_start3A_283 = tpu.memref_slice %arg7[%dma_start3A_280, %dma_start3A_281, %dma_start3A_282] : memref<3x64x512xf32, #tpu.memory_space<vmem>> -> memref<1x64x512xf32, #tpu.memory_space<vmem>>
    %dma_start3A_284 = tpu.memref_squeeze %dma_start3A_283 : memref<1x64x512xf32, #tpu.memory_space<vmem>> -> memref<64x512xf32, #tpu.memory_space<vmem>>
    %dma_start3A_285 = arith.constant 0 : i32
    %dma_start3A_286 = tpu.memref_slice %arg2[%add3A_279, %dma_start3A_285] : memref<32768x512xf32, #tpu.memory_space<hbm>> -> memref<64x512xf32, #tpu.memory_space<hbm>>
    %dma_start3A_287 = arith.constant 0 : i32
    %dma_start3A_288 = arith.constant 0 : i32
    %dma_start3A_289 = tpu.memref_slice %arg7[%dma_start3A_280, %dma_start3A_287, %dma_start3A_288] : memref<3x64x512xf32, #tpu.memory_space<vmem>> -> memref<1x64x512xf32, #tpu.memory_space<vmem>>
    %dma_start3A_290 = tpu.memref_squeeze %dma_start3A_289 : memref<1x64x512xf32, #tpu.memory_space<vmem>> -> memref<64x512xf32, #tpu.memory_space<vmem>>
    %dma_start3A_291 = arith.constant 0 : i32
    %dma_start3A_292 = tpu.memref_slice %arg2[%add3A_279, %dma_start3A_291] : memref<32768x512xf32, #tpu.memory_space<hbm>> -> memref<64x512xf32, #tpu.memory_space<hbm>>
    tpu.enqueue_dma source(%dma_start3A_292 : memref<64x512xf32, #tpu.memory_space<hbm>>) target(%dma_start3A_290 : memref<64x512xf32, #tpu.memory_space<vmem>>) target_semaphore(%arg8 : memref<!tpu.dma_semaphore, #tpu.memory_space<semaphore_mem>>)
    %dma_wait3A_293 = arith.constant 1 : i32
    %dma_wait3A_294 = arith.constant 0 : i32
    %dma_wait3A_295 = arith.constant 0 : i32
    %dma_wait3A_296 = tpu.memref_slice %arg7[%dma_wait3A_293, %dma_wait3A_294, %dma_wait3A_295] : memref<3x64x512xf32, #tpu.memory_space<vmem>> -> memref<1x64x512xf32, #tpu.memory_space<vmem>>
    %dma_wait3A_297 = tpu.memref_squeeze %dma_wait3A_296 : memref<1x64x512xf32, #tpu.memory_space<vmem>> -> memref<64x512xf32, #tpu.memory_space<vmem>>
    %dma_wait3A_298 = arith.constant 0 : i32
    %dma_wait3A_299 = tpu.memref_slice %arg2[%add3A_173, %dma_wait3A_298] : memref<32768x512xf32, #tpu.memory_space<hbm>> -> memref<64x512xf32, #tpu.memory_space<hbm>>
    %dma_wait3A_300 = arith.constant 0 : i32
    %dma_wait3A_301 = arith.constant 0 : i32
    %dma_wait3A_302 = tpu.memref_slice %arg7[%dma_wait3A_293, %dma_wait3A_300, %dma_wait3A_301] : memref<3x64x512xf32, #tpu.memory_space<vmem>> -> memref<1x64x512xf32, #tpu.memory_space<vmem>>
    %dma_wait3A_303 = tpu.memref_squeeze %dma_wait3A_302 : memref<1x64x512xf32, #tpu.memory_space<vmem>> -> memref<64x512xf32, #tpu.memory_space<vmem>>
    %dma_wait3A_304 = arith.constant 0 : i32
    %dma_wait3A_305 = tpu.memref_slice %arg2[%add3A_173, %dma_wait3A_304] : memref<32768x512xf32, #tpu.memory_space<hbm>> -> memref<64x512xf32, #tpu.memory_space<hbm>>
    tpu.wait_dma2 semaphore(%arg8 : memref<!tpu.dma_semaphore, #tpu.memory_space<semaphore_mem>>) src(%dma_wait3A_305 : memref<64x512xf32, #tpu.memory_space<hbm>>) dst(%dma_wait3A_303 : memref<64x512xf32, #tpu.memory_space<vmem>>)
    %add3A_306 = arith.constant 0 : i32
    %add3A_307 = arith.addi %add3A_57, %add3A_306 : i32
    %dma_start3A_308 = arith.constant 1 : i32
    %dma_start3A_309 = arith.constant 0 : i32
    %dma_start3A_310 = arith.constant 0 : i32
    %dma_start3A_311 = tpu.memref_slice %arg7[%dma_start3A_308, %dma_start3A_309, %dma_start3A_310] : memref<3x64x512xf32, #tpu.memory_space<vmem>> -> memref<1x64x512xf32, #tpu.memory_space<vmem>>
    %dma_start3A_312 = tpu.memref_squeeze %dma_start3A_311 : memref<1x64x512xf32, #tpu.memory_space<vmem>> -> memref<64x512xf32, #tpu.memory_space<vmem>>
    %dma_start3A_313 = arith.constant 0 : i32
    %dma_start3A_314 = tpu.memref_slice %arg4[%add3A_307, %dma_start3A_313] : memref<32768x512xf32, #tpu.memory_space<hbm>> -> memref<64x512xf32, #tpu.memory_space<hbm>>
    %dma_start3A_315 = arith.constant 0 : i32
    %dma_start3A_316 = tpu.memref_slice %arg4[%add3A_307, %dma_start3A_315] : memref<32768x512xf32, #tpu.memory_space<hbm>> -> memref<64x512xf32, #tpu.memory_space<hbm>>
    %dma_start3A_317 = arith.constant 0 : i32
    %dma_start3A_318 = arith.constant 0 : i32
    %dma_start3A_319 = tpu.memref_slice %arg7[%dma_start3A_308, %dma_start3A_317, %dma_start3A_318] : memref<3x64x512xf32, #tpu.memory_space<vmem>> -> memref<1x64x512xf32, #tpu.memory_space<vmem>>
    %dma_start3A_320 = tpu.memref_squeeze %dma_start3A_319 : memref<1x64x512xf32, #tpu.memory_space<vmem>> -> memref<64x512xf32, #tpu.memory_space<vmem>>
    tpu.enqueue_dma source(%dma_start3A_320 : memref<64x512xf32, #tpu.memory_space<vmem>>) target(%dma_start3A_316 : memref<64x512xf32, #tpu.memory_space<hbm>>) target_semaphore(%arg9 : memref<!tpu.dma_semaphore, #tpu.memory_space<semaphore_mem>>)
    %dma_wait3A_321 = arith.constant 1 : i32
    %dma_wait3A_322 = arith.constant 0 : i32
    %dma_wait3A_323 = arith.constant 0 : i32
    %dma_wait3A_324 = tpu.memref_slice %arg7[%dma_wait3A_321, %dma_wait3A_322, %dma_wait3A_323] : memref<3x64x512xf32, #tpu.memory_space<vmem>> -> memref<1x64x512xf32, #tpu.memory_space<vmem>>
    %dma_wait3A_325 = tpu.memref_squeeze %dma_wait3A_324 : memref<1x64x512xf32, #tpu.memory_space<vmem>> -> memref<64x512xf32, #tpu.memory_space<vmem>>
    %dma_wait3A_326 = arith.constant 0 : i32
    %dma_wait3A_327 = tpu.memref_slice %arg4[%add3A_307, %dma_wait3A_326] : memref<32768x512xf32, #tpu.memory_space<hbm>> -> memref<64x512xf32, #tpu.memory_space<hbm>>
    %dma_wait3A_328 = arith.constant 0 : i32
    %dma_wait3A_329 = tpu.memref_slice %arg4[%add3A_307, %dma_wait3A_328] : memref<32768x512xf32, #tpu.memory_space<hbm>> -> memref<64x512xf32, #tpu.memory_space<hbm>>
    %dma_wait3A_330 = arith.constant 0 : i32
    %dma_wait3A_331 = arith.constant 0 : i32
    %dma_wait3A_332 = tpu.memref_slice %arg7[%dma_wait3A_321, %dma_wait3A_330, %dma_wait3A_331] : memref<3x64x512xf32, #tpu.memory_space<vmem>> -> memref<1x64x512xf32, #tpu.memory_space<vmem>>
    %dma_wait3A_333 = tpu.memref_squeeze %dma_wait3A_332 : memref<1x64x512xf32, #tpu.memory_space<vmem>> -> memref<64x512xf32, #tpu.memory_space<vmem>>
    tpu.wait_dma2 semaphore(%arg9 : memref<!tpu.dma_semaphore, #tpu.memory_space<semaphore_mem>>) src(%dma_wait3A_333 : memref<64x512xf32, #tpu.memory_space<vmem>>) dst(%dma_wait3A_329 : memref<64x512xf32, #tpu.memory_space<hbm>>)
    %add3A_334 = arith.constant 192 : i32
    %add3A_335 = arith.addi %add3A_57, %add3A_334 : i32
    %dma_start3A_336 = arith.constant 1 : i32
    %dma_start3A_337 = arith.constant 0 : i32
    %dma_start3A_338 = arith.constant 0 : i32
    %dma_start3A_339 = tpu.memref_slice %arg7[%dma_start3A_336, %dma_start3A_337, %dma_start3A_338] : memref<3x64x512xf32, #tpu.memory_space<vmem>> -> memref<1x64x512xf32, #tpu.memory_space<vmem>>
    %dma_start3A_340 = tpu.memref_squeeze %dma_start3A_339 : memref<1x64x512xf32, #tpu.memory_space<vmem>> -> memref<64x512xf32, #tpu.memory_space<vmem>>
    %dma_start3A_341 = arith.constant 0 : i32
    %dma_start3A_342 = tpu.memref_slice %arg2[%add3A_335, %dma_start3A_341] : memref<32768x512xf32, #tpu.memory_space<hbm>> -> memref<64x512xf32, #tpu.memory_space<hbm>>
    %dma_start3A_343 = arith.constant 0 : i32
    %dma_start3A_344 = arith.constant 0 : i32
    %dma_start3A_345 = tpu.memref_slice %arg7[%dma_start3A_336, %dma_start3A_343, %dma_start3A_344] : memref<3x64x512xf32, #tpu.memory_space<vmem>> -> memref<1x64x512xf32, #tpu.memory_space<vmem>>
    %dma_start3A_346 = tpu.memref_squeeze %dma_start3A_345 : memref<1x64x512xf32, #tpu.memory_space<vmem>> -> memref<64x512xf32, #tpu.memory_space<vmem>>
    %dma_start3A_347 = arith.constant 0 : i32
    %dma_start3A_348 = tpu.memref_slice %arg2[%add3A_335, %dma_start3A_347] : memref<32768x512xf32, #tpu.memory_space<hbm>> -> memref<64x512xf32, #tpu.memory_space<hbm>>
    tpu.enqueue_dma source(%dma_start3A_348 : memref<64x512xf32, #tpu.memory_space<hbm>>) target(%dma_start3A_346 : memref<64x512xf32, #tpu.memory_space<vmem>>) target_semaphore(%arg8 : memref<!tpu.dma_semaphore, #tpu.memory_space<semaphore_mem>>)
    %dma_wait3A_349 = arith.constant 2 : i32
    %dma_wait3A_350 = arith.constant 0 : i32
    %dma_wait3A_351 = arith.constant 0 : i32
    %dma_wait3A_352 = tpu.memref_slice %arg7[%dma_wait3A_349, %dma_wait3A_350, %dma_wait3A_351] : memref<3x64x512xf32, #tpu.memory_space<vmem>> -> memref<1x64x512xf32, #tpu.memory_space<vmem>>
    %dma_wait3A_353 = tpu.memref_squeeze %dma_wait3A_352 : memref<1x64x512xf32, #tpu.memory_space<vmem>> -> memref<64x512xf32, #tpu.memory_space<vmem>>
    %dma_wait3A_354 = arith.constant 0 : i32
    %dma_wait3A_355 = tpu.memref_slice %arg2[%add3A_226, %dma_wait3A_354] : memref<32768x512xf32, #tpu.memory_space<hbm>> -> memref<64x512xf32, #tpu.memory_space<hbm>>
    %dma_wait3A_356 = arith.constant 0 : i32
    %dma_wait3A_357 = arith.constant 0 : i32
    %dma_wait3A_358 = tpu.memref_slice %arg7[%dma_wait3A_349, %dma_wait3A_356, %dma_wait3A_357] : memref<3x64x512xf32, #tpu.memory_space<vmem>> -> memref<1x64x512xf32, #tpu.memory_space<vmem>>
    %dma_wait3A_359 = tpu.memref_squeeze %dma_wait3A_358 : memref<1x64x512xf32, #tpu.memory_space<vmem>> -> memref<64x512xf32, #tpu.memory_space<vmem>>
    %dma_wait3A_360 = arith.constant 0 : i32
    %dma_wait3A_361 = tpu.memref_slice %arg2[%add3A_226, %dma_wait3A_360] : memref<32768x512xf32, #tpu.memory_space<hbm>> -> memref<64x512xf32, #tpu.memory_space<hbm>>
    tpu.wait_dma2 semaphore(%arg8 : memref<!tpu.dma_semaphore, #tpu.memory_space<semaphore_mem>>) src(%dma_wait3A_361 : memref<64x512xf32, #tpu.memory_space<hbm>>) dst(%dma_wait3A_359 : memref<64x512xf32, #tpu.memory_space<vmem>>)
    %add3A_362 = arith.constant 64 : i32
    %add3A_363 = arith.addi %add3A_57, %add3A_362 : i32
    %dma_start3A_364 = arith.constant 2 : i32
    %dma_start3A_365 = arith.constant 0 : i32
    %dma_start3A_366 = arith.constant 0 : i32
    %dma_start3A_367 = tpu.memref_slice %arg7[%dma_start3A_364, %dma_start3A_365, %dma_start3A_366] : memref<3x64x512xf32, #tpu.memory_space<vmem>> -> memref<1x64x512xf32, #tpu.memory_space<vmem>>
    %dma_start3A_368 = tpu.memref_squeeze %dma_start3A_367 : memref<1x64x512xf32, #tpu.memory_space<vmem>> -> memref<64x512xf32, #tpu.memory_space<vmem>>
    %dma_start3A_369 = arith.constant 0 : i32
    %dma_start3A_370 = tpu.memref_slice %arg4[%add3A_363, %dma_start3A_369] : memref<32768x512xf32, #tpu.memory_space<hbm>> -> memref<64x512xf32, #tpu.memory_space<hbm>>
    %dma_start3A_371 = arith.constant 0 : i32
    %dma_start3A_372 = tpu.memref_slice %arg4[%add3A_363, %dma_start3A_371] : memref<32768x512xf32, #tpu.memory_space<hbm>> -> memref<64x512xf32, #tpu.memory_space<hbm>>
    %dma_start3A_373 = arith.constant 0 : i32
    %dma_start3A_374 = arith.constant 0 : i32
    %dma_start3A_375 = tpu.memref_slice %arg7[%dma_start3A_364, %dma_start3A_373, %dma_start3A_374] : memref<3x64x512xf32, #tpu.memory_space<vmem>> -> memref<1x64x512xf32, #tpu.memory_space<vmem>>
    %dma_start3A_376 = tpu.memref_squeeze %dma_start3A_375 : memref<1x64x512xf32, #tpu.memory_space<vmem>> -> memref<64x512xf32, #tpu.memory_space<vmem>>
    tpu.enqueue_dma source(%dma_start3A_376 : memref<64x512xf32, #tpu.memory_space<vmem>>) target(%dma_start3A_372 : memref<64x512xf32, #tpu.memory_space<hbm>>) target_semaphore(%arg9 : memref<!tpu.dma_semaphore, #tpu.memory_space<semaphore_mem>>)
    %dma_wait3A_377 = arith.constant 2 : i32
    %dma_wait3A_378 = arith.constant 0 : i32
    %dma_wait3A_379 = arith.constant 0 : i32
    %dma_wait3A_380 = tpu.memref_slice %arg7[%dma_wait3A_377, %dma_wait3A_378, %dma_wait3A_379] : memref<3x64x512xf32, #tpu.memory_space<vmem>> -> memref<1x64x512xf32, #tpu.memory_space<vmem>>
    %dma_wait3A_381 = tpu.memref_squeeze %dma_wait3A_380 : memref<1x64x512xf32, #tpu.memory_space<vmem>> -> memref<64x512xf32, #tpu.memory_space<vmem>>
    %dma_wait3A_382 = arith.constant 0 : i32
    %dma_wait3A_383 = tpu.memref_slice %arg4[%add3A_363, %dma_wait3A_382] : memref<32768x512xf32, #tpu.memory_space<hbm>> -> memref<64x512xf32, #tpu.memory_space<hbm>>
    %dma_wait3A_384 = arith.constant 0 : i32
    %dma_wait3A_385 = tpu.memref_slice %arg4[%add3A_363, %dma_wait3A_384] : memref<32768x512xf32, #tpu.memory_space<hbm>> -> memref<64x512xf32, #tpu.memory_space<hbm>>
    %dma_wait3A_386 = arith.constant 0 : i32
    %dma_wait3A_387 = arith.constant 0 : i32
    %dma_wait3A_388 = tpu.memref_slice %arg7[%dma_wait3A_377, %dma_wait3A_386, %dma_wait3A_387] : memref<3x64x512xf32, #tpu.memory_space<vmem>> -> memref<1x64x512xf32, #tpu.memory_space<vmem>>
    %dma_wait3A_389 = tpu.memref_squeeze %dma_wait3A_388 : memref<1x64x512xf32, #tpu.memory_space<vmem>> -> memref<64x512xf32, #tpu.memory_space<vmem>>
    tpu.wait_dma2 semaphore(%arg9 : memref<!tpu.dma_semaphore, #tpu.memory_space<semaphore_mem>>) src(%dma_wait3A_389 : memref<64x512xf32, #tpu.memory_space<vmem>>) dst(%dma_wait3A_385 : memref<64x512xf32, #tpu.memory_space<hbm>>)
    %add3A_390 = arith.constant 256 : i32
    %add3A_391 = arith.addi %add3A_57, %add3A_390 : i32
    %dma_start3A_392 = arith.constant 2 : i32
    %dma_start3A_393 = arith.constant 0 : i32
    %dma_start3A_394 = arith.constant 0 : i32
    %dma_start3A_395 = tpu.memref_slice %arg7[%dma_start3A_392, %dma_start3A_393, %dma_start3A_394] : memref<3x64x512xf32, #tpu.memory_space<vmem>> -> memref<1x64x512xf32, #tpu.memory_space<vmem>>
    %dma_start3A_396 = tpu.memref_squeeze %dma_start3A_395 : memref<1x64x512xf32, #tpu.memory_space<vmem>> -> memref<64x512xf32, #tpu.memory_space<vmem>>
    %dma_start3A_397 = arith.constant 0 : i32
    %dma_start3A_398 = tpu.memref_slice %arg2[%add3A_391, %dma_start3A_397] : memref<32768x512xf32, #tpu.memory_space<hbm>> -> memref<64x512xf32, #tpu.memory_space<hbm>>
    %dma_start3A_399 = arith.constant 0 : i32
    %dma_start3A_400 = arith.constant 0 : i32
    %dma_start3A_401 = tpu.memref_slice %arg7[%dma_start3A_392, %dma_start3A_399, %dma_start3A_400] : memref<3x64x512xf32, #tpu.memory_space<vmem>> -> memref<1x64x512xf32, #tpu.memory_space<vmem>>
    %dma_start3A_402 = tpu.memref_squeeze %dma_start3A_401 : memref<1x64x512xf32, #tpu.memory_space<vmem>> -> memref<64x512xf32, #tpu.memory_space<vmem>>
    %dma_start3A_403 = arith.constant 0 : i32
    %dma_start3A_404 = tpu.memref_slice %arg2[%add3A_391, %dma_start3A_403] : memref<32768x512xf32, #tpu.memory_space<hbm>> -> memref<64x512xf32, #tpu.memory_space<hbm>>
    tpu.enqueue_dma source(%dma_start3A_404 : memref<64x512xf32, #tpu.memory_space<hbm>>) target(%dma_start3A_402 : memref<64x512xf32, #tpu.memory_space<vmem>>) target_semaphore(%arg8 : memref<!tpu.dma_semaphore, #tpu.memory_space<semaphore_mem>>)
    %dma_wait3A_405 = arith.constant 0 : i32
    %dma_wait3A_406 = arith.constant 0 : i32
    %dma_wait3A_407 = arith.constant 0 : i32
    %dma_wait3A_408 = tpu.memref_slice %arg7[%dma_wait3A_405, %dma_wait3A_406, %dma_wait3A_407] : memref<3x64x512xf32, #tpu.memory_space<vmem>> -> memref<1x64x512xf32, #tpu.memory_space<vmem>>
    %dma_wait3A_409 = tpu.memref_squeeze %dma_wait3A_408 : memref<1x64x512xf32, #tpu.memory_space<vmem>> -> memref<64x512xf32, #tpu.memory_space<vmem>>
    %dma_wait3A_410 = arith.constant 0 : i32
    %dma_wait3A_411 = tpu.memref_slice %arg2[%add3A_279, %dma_wait3A_410] : memref<32768x512xf32, #tpu.memory_space<hbm>> -> memref<64x512xf32, #tpu.memory_space<hbm>>
    %dma_wait3A_412 = arith.constant 0 : i32
    %dma_wait3A_413 = arith.constant 0 : i32
    %dma_wait3A_414 = tpu.memref_slice %arg7[%dma_wait3A_405, %dma_wait3A_412, %dma_wait3A_413] : memref<3x64x512xf32, #tpu.memory_space<vmem>> -> memref<1x64x512xf32, #tpu.memory_space<vmem>>
    %dma_wait3A_415 = tpu.memref_squeeze %dma_wait3A_414 : memref<1x64x512xf32, #tpu.memory_space<vmem>> -> memref<64x512xf32, #tpu.memory_space<vmem>>
    %dma_wait3A_416 = arith.constant 0 : i32
    %dma_wait3A_417 = tpu.memref_slice %arg2[%add3A_279, %dma_wait3A_416] : memref<32768x512xf32, #tpu.memory_space<hbm>> -> memref<64x512xf32, #tpu.memory_space<hbm>>
    tpu.wait_dma2 semaphore(%arg8 : memref<!tpu.dma_semaphore, #tpu.memory_space<semaphore_mem>>) src(%dma_wait3A_417 : memref<64x512xf32, #tpu.memory_space<hbm>>) dst(%dma_wait3A_415 : memref<64x512xf32, #tpu.memory_space<vmem>>)
    %add3A_418 = arith.constant 128 : i32
    %add3A_419 = arith.addi %add3A_57, %add3A_418 : i32
    %dma_start3A_420 = arith.constant 0 : i32
    %dma_start3A_421 = arith.constant 0 : i32
    %dma_start3A_422 = arith.constant 0 : i32
    %dma_start3A_423 = tpu.memref_slice %arg7[%dma_start3A_420, %dma_start3A_421, %dma_start3A_422] : memref<3x64x512xf32, #tpu.memory_space<vmem>> -> memref<1x64x512xf32, #tpu.memory_space<vmem>>
    %dma_start3A_424 = tpu.memref_squeeze %dma_start3A_423 : memref<1x64x512xf32, #tpu.memory_space<vmem>> -> memref<64x512xf32, #tpu.memory_space<vmem>>
    %dma_start3A_425 = arith.constant 0 : i32
    %dma_start3A_426 = tpu.memref_slice %arg4[%add3A_419, %dma_start3A_425] : memref<32768x512xf32, #tpu.memory_space<hbm>> -> memref<64x512xf32, #tpu.memory_space<hbm>>
    %dma_start3A_427 = arith.constant 0 : i32
    %dma_start3A_428 = tpu.memref_slice %arg4[%add3A_419, %dma_start3A_427] : memref<32768x512xf32, #tpu.memory_space<hbm>> -> memref<64x512xf32, #tpu.memory_space<hbm>>
    %dma_start3A_429 = arith.constant 0 : i32
    %dma_start3A_430 = arith.constant 0 : i32
    %dma_start3A_431 = tpu.memref_slice %arg7[%dma_start3A_420, %dma_start3A_429, %dma_start3A_430] : memref<3x64x512xf32, #tpu.memory_space<vmem>> -> memref<1x64x512xf32, #tpu.memory_space<vmem>>
    %dma_start3A_432 = tpu.memref_squeeze %dma_start3A_431 : memref<1x64x512xf32, #tpu.memory_space<vmem>> -> memref<64x512xf32, #tpu.memory_space<vmem>>
    tpu.enqueue_dma source(%dma_start3A_432 : memref<64x512xf32, #tpu.memory_space<vmem>>) target(%dma_start3A_428 : memref<64x512xf32, #tpu.memory_space<hbm>>) target_semaphore(%arg9 : memref<!tpu.dma_semaphore, #tpu.memory_space<semaphore_mem>>)
    %dma_wait3A_433 = arith.constant 0 : i32
    %dma_wait3A_434 = arith.constant 0 : i32
    %dma_wait3A_435 = arith.constant 0 : i32
    %dma_wait3A_436 = tpu.memref_slice %arg7[%dma_wait3A_433, %dma_wait3A_434, %dma_wait3A_435] : memref<3x64x512xf32, #tpu.memory_space<vmem>> -> memref<1x64x512xf32, #tpu.memory_space<vmem>>
    %dma_wait3A_437 = tpu.memref_squeeze %dma_wait3A_436 : memref<1x64x512xf32, #tpu.memory_space<vmem>> -> memref<64x512xf32, #tpu.memory_space<vmem>>
    %dma_wait3A_438 = arith.constant 0 : i32
    %dma_wait3A_439 = tpu.memref_slice %arg4[%add3A_419, %dma_wait3A_438] : memref<32768x512xf32, #tpu.memory_space<hbm>> -> memref<64x512xf32, #tpu.memory_space<hbm>>
    %dma_wait3A_440 = arith.constant 0 : i32
    %dma_wait3A_441 = tpu.memref_slice %arg4[%add3A_419, %dma_wait3A_440] : memref<32768x512xf32, #tpu.memory_space<hbm>> -> memref<64x512xf32, #tpu.memory_space<hbm>>
    %dma_wait3A_442 = arith.constant 0 : i32
    %dma_wait3A_443 = arith.constant 0 : i32
    %dma_wait3A_444 = tpu.memref_slice %arg7[%dma_wait3A_433, %dma_wait3A_442, %dma_wait3A_443] : memref<3x64x512xf32, #tpu.memory_space<vmem>> -> memref<1x64x512xf32, #tpu.memory_space<vmem>>
    %dma_wait3A_445 = tpu.memref_squeeze %dma_wait3A_444 : memref<1x64x512xf32, #tpu.memory_space<vmem>> -> memref<64x512xf32, #tpu.memory_space<vmem>>
    tpu.wait_dma2 semaphore(%arg9 : memref<!tpu.dma_semaphore, #tpu.memory_space<semaphore_mem>>) src(%dma_wait3A_445 : memref<64x512xf32, #tpu.memory_space<vmem>>) dst(%dma_wait3A_441 : memref<64x512xf32, #tpu.memory_space<hbm>>)
    %add3A_446 = arith.constant 320 : i32
    %add3A_447 = arith.addi %add3A_57, %add3A_446 : i32
    %dma_start3A_448 = arith.constant 0 : i32
    %dma_start3A_449 = arith.constant 0 : i32
    %dma_start3A_450 = arith.constant 0 : i32
    %dma_start3A_451 = tpu.memref_slice %arg7[%dma_start3A_448, %dma_start3A_449, %dma_start3A_450] : memref<3x64x512xf32, #tpu.memory_space<vmem>> -> memref<1x64x512xf32, #tpu.memory_space<vmem>>
    %dma_start3A_452 = tpu.memref_squeeze %dma_start3A_451 : memref<1x64x512xf32, #tpu.memory_space<vmem>> -> memref<64x512xf32, #tpu.memory_space<vmem>>
    %dma_start3A_453 = arith.constant 0 : i32
    %dma_start3A_454 = tpu.memref_slice %arg2[%add3A_447, %dma_start3A_453] : memref<32768x512xf32, #tpu.memory_space<hbm>> -> memref<64x512xf32, #tpu.memory_space<hbm>>
    %dma_start3A_455 = arith.constant 0 : i32
    %dma_start3A_456 = arith.constant 0 : i32
    %dma_start3A_457 = tpu.memref_slice %arg7[%dma_start3A_448, %dma_start3A_455, %dma_start3A_456] : memref<3x64x512xf32, #tpu.memory_space<vmem>> -> memref<1x64x512xf32, #tpu.memory_space<vmem>>
    %dma_start3A_458 = tpu.memref_squeeze %dma_start3A_457 : memref<1x64x512xf32, #tpu.memory_space<vmem>> -> memref<64x512xf32, #tpu.memory_space<vmem>>
    %dma_start3A_459 = arith.constant 0 : i32
    %dma_start3A_460 = tpu.memref_slice %arg2[%add3A_447, %dma_start3A_459] : memref<32768x512xf32, #tpu.memory_space<hbm>> -> memref<64x512xf32, #tpu.memory_space<hbm>>
    tpu.enqueue_dma source(%dma_start3A_460 : memref<64x512xf32, #tpu.memory_space<hbm>>) target(%dma_start3A_458 : memref<64x512xf32, #tpu.memory_space<vmem>>) target_semaphore(%arg8 : memref<!tpu.dma_semaphore, #tpu.memory_space<semaphore_mem>>)
    %dma_wait3A_461 = arith.constant 1 : i32
    %dma_wait3A_462 = arith.constant 0 : i32
    %dma_wait3A_463 = arith.constant 0 : i32
    %dma_wait3A_464 = tpu.memref_slice %arg7[%dma_wait3A_461, %dma_wait3A_462, %dma_wait3A_463] : memref<3x64x512xf32, #tpu.memory_space<vmem>> -> memref<1x64x512xf32, #tpu.memory_space<vmem>>
    %dma_wait3A_465 = tpu.memref_squeeze %dma_wait3A_464 : memref<1x64x512xf32, #tpu.memory_space<vmem>> -> memref<64x512xf32, #tpu.memory_space<vmem>>
    %dma_wait3A_466 = arith.constant 0 : i32
    %dma_wait3A_467 = tpu.memref_slice %arg2[%add3A_335, %dma_wait3A_466] : memref<32768x512xf32, #tpu.memory_space<hbm>> -> memref<64x512xf32, #tpu.memory_space<hbm>>
    %dma_wait3A_468 = arith.constant 0 : i32
    %dma_wait3A_469 = arith.constant 0 : i32
    %dma_wait3A_470 = tpu.memref_slice %arg7[%dma_wait3A_461, %dma_wait3A_468, %dma_wait3A_469] : memref<3x64x512xf32, #tpu.memory_space<vmem>> -> memref<1x64x512xf32, #tpu.memory_space<vmem>>
    %dma_wait3A_471 = tpu.memref_squeeze %dma_wait3A_470 : memref<1x64x512xf32, #tpu.memory_space<vmem>> -> memref<64x512xf32, #tpu.memory_space<vmem>>
    %dma_wait3A_472 = arith.constant 0 : i32
    %dma_wait3A_473 = tpu.memref_slice %arg2[%add3A_335, %dma_wait3A_472] : memref<32768x512xf32, #tpu.memory_space<hbm>> -> memref<64x512xf32, #tpu.memory_space<hbm>>
    tpu.wait_dma2 semaphore(%arg8 : memref<!tpu.dma_semaphore, #tpu.memory_space<semaphore_mem>>) src(%dma_wait3A_473 : memref<64x512xf32, #tpu.memory_space<hbm>>) dst(%dma_wait3A_471 : memref<64x512xf32, #tpu.memory_space<vmem>>)
    %add3A_474 = arith.constant 192 : i32
    %add3A_475 = arith.addi %add3A_57, %add3A_474 : i32
    %dma_start3A_476 = arith.constant 1 : i32
    %dma_start3A_477 = arith.constant 0 : i32
    %dma_start3A_478 = arith.constant 0 : i32
    %dma_start3A_479 = tpu.memref_slice %arg7[%dma_start3A_476, %dma_start3A_477, %dma_start3A_478] : memref<3x64x512xf32, #tpu.memory_space<vmem>> -> memref<1x64x512xf32, #tpu.memory_space<vmem>>
    %dma_start3A_480 = tpu.memref_squeeze %dma_start3A_479 : memref<1x64x512xf32, #tpu.memory_space<vmem>> -> memref<64x512xf32, #tpu.memory_space<vmem>>
    %dma_start3A_481 = arith.constant 0 : i32
    %dma_start3A_482 = tpu.memref_slice %arg4[%add3A_475, %dma_start3A_481] : memref<32768x512xf32, #tpu.memory_space<hbm>> -> memref<64x512xf32, #tpu.memory_space<hbm>>
    %dma_start3A_483 = arith.constant 0 : i32
    %dma_start3A_484 = tpu.memref_slice %arg4[%add3A_475, %dma_start3A_483] : memref<32768x512xf32, #tpu.memory_space<hbm>> -> memref<64x512xf32, #tpu.memory_space<hbm>>
    %dma_start3A_485 = arith.constant 0 : i32
    %dma_start3A_486 = arith.constant 0 : i32
    %dma_start3A_487 = tpu.memref_slice %arg7[%dma_start3A_476, %dma_start3A_485, %dma_start3A_486] : memref<3x64x512xf32, #tpu.memory_space<vmem>> -> memref<1x64x512xf32, #tpu.memory_space<vmem>>
    %dma_start3A_488 = tpu.memref_squeeze %dma_start3A_487 : memref<1x64x512xf32, #tpu.memory_space<vmem>> -> memref<64x512xf32, #tpu.memory_space<vmem>>
    tpu.enqueue_dma source(%dma_start3A_488 : memref<64x512xf32, #tpu.memory_space<vmem>>) target(%dma_start3A_484 : memref<64x512xf32, #tpu.memory_space<hbm>>) target_semaphore(%arg9 : memref<!tpu.dma_semaphore, #tpu.memory_space<semaphore_mem>>)
    %dma_wait3A_489 = arith.constant 1 : i32
    %dma_wait3A_490 = arith.constant 0 : i32
    %dma_wait3A_491 = arith.constant 0 : i32
    %dma_wait3A_492 = tpu.memref_slice %arg7[%dma_wait3A_489, %dma_wait3A_490, %dma_wait3A_491] : memref<3x64x512xf32, #tpu.memory_space<vmem>> -> memref<1x64x512xf32, #tpu.memory_space<vmem>>
    %dma_wait3A_493 = tpu.memref_squeeze %dma_wait3A_492 : memref<1x64x512xf32, #tpu.memory_space<vmem>> -> memref<64x512xf32, #tpu.memory_space<vmem>>
    %dma_wait3A_494 = arith.constant 0 : i32
    %dma_wait3A_495 = tpu.memref_slice %arg4[%add3A_475, %dma_wait3A_494] : memref<32768x512xf32, #tpu.memory_space<hbm>> -> memref<64x512xf32, #tpu.memory_space<hbm>>
    %dma_wait3A_496 = arith.constant 0 : i32
    %dma_wait3A_497 = tpu.memref_slice %arg4[%add3A_475, %dma_wait3A_496] : memref<32768x512xf32, #tpu.memory_space<hbm>> -> memref<64x512xf32, #tpu.memory_space<hbm>>
    %dma_wait3A_498 = arith.constant 0 : i32
    %dma_wait3A_499 = arith.constant 0 : i32
    %dma_wait3A_500 = tpu.memref_slice %arg7[%dma_wait3A_489, %dma_wait3A_498, %dma_wait3A_499] : memref<3x64x512xf32, #tpu.memory_space<vmem>> -> memref<1x64x512xf32, #tpu.memory_space<vmem>>
    %dma_wait3A_501 = tpu.memref_squeeze %dma_wait3A_500 : memref<1x64x512xf32, #tpu.memory_space<vmem>> -> memref<64x512xf32, #tpu.memory_space<vmem>>
    tpu.wait_dma2 semaphore(%arg9 : memref<!tpu.dma_semaphore, #tpu.memory_space<semaphore_mem>>) src(%dma_wait3A_501 : memref<64x512xf32, #tpu.memory_space<vmem>>) dst(%dma_wait3A_497 : memref<64x512xf32, #tpu.memory_space<hbm>>)
    %add3A_502 = arith.constant 384 : i32
    %add3A_503 = arith.addi %add3A_57, %add3A_502 : i32
    %dma_start3A_504 = arith.constant 1 : i32
    %dma_start3A_505 = arith.constant 0 : i32
    %dma_start3A_506 = arith.constant 0 : i32
    %dma_start3A_507 = tpu.memref_slice %arg7[%dma_start3A_504, %dma_start3A_505, %dma_start3A_506] : memref<3x64x512xf32, #tpu.memory_space<vmem>> -> memref<1x64x512xf32, #tpu.memory_space<vmem>>
    %dma_start3A_508 = tpu.memref_squeeze %dma_start3A_507 : memref<1x64x512xf32, #tpu.memory_space<vmem>> -> memref<64x512xf32, #tpu.memory_space<vmem>>
    %dma_start3A_509 = arith.constant 0 : i32
    %dma_start3A_510 = tpu.memref_slice %arg2[%add3A_503, %dma_start3A_509] : memref<32768x512xf32, #tpu.memory_space<hbm>> -> memref<64x512xf32, #tpu.memory_space<hbm>>
    %dma_start3A_511 = arith.constant 0 : i32
    %dma_start3A_512 = arith.constant 0 : i32
    %dma_start3A_513 = tpu.memref_slice %arg7[%dma_start3A_504, %dma_start3A_511, %dma_start3A_512] : memref<3x64x512xf32, #tpu.memory_space<vmem>> -> memref<1x64x512xf32, #tpu.memory_space<vmem>>
    %dma_start3A_514 = tpu.memref_squeeze %dma_start3A_513 : memref<1x64x512xf32, #tpu.memory_space<vmem>> -> memref<64x512xf32, #tpu.memory_space<vmem>>
    %dma_start3A_515 = arith.constant 0 : i32
    %dma_start3A_516 = tpu.memref_slice %arg2[%add3A_503, %dma_start3A_515] : memref<32768x512xf32, #tpu.memory_space<hbm>> -> memref<64x512xf32, #tpu.memory_space<hbm>>
    tpu.enqueue_dma source(%dma_start3A_516 : memref<64x512xf32, #tpu.memory_space<hbm>>) target(%dma_start3A_514 : memref<64x512xf32, #tpu.memory_space<vmem>>) target_semaphore(%arg8 : memref<!tpu.dma_semaphore, #tpu.memory_space<semaphore_mem>>)
    %dma_wait3A_517 = arith.constant 2 : i32
    %dma_wait3A_518 = arith.constant 0 : i32
    %dma_wait3A_519 = arith.constant 0 : i32
    %dma_wait3A_520 = tpu.memref_slice %arg7[%dma_wait3A_517, %dma_wait3A_518, %dma_wait3A_519] : memref<3x64x512xf32, #tpu.memory_space<vmem>> -> memref<1x64x512xf32, #tpu.memory_space<vmem>>
    %dma_wait3A_521 = tpu.memref_squeeze %dma_wait3A_520 : memref<1x64x512xf32, #tpu.memory_space<vmem>> -> memref<64x512xf32, #tpu.memory_space<vmem>>
    %dma_wait3A_522 = arith.constant 0 : i32
    %dma_wait3A_523 = tpu.memref_slice %arg2[%add3A_391, %dma_wait3A_522] : memref<32768x512xf32, #tpu.memory_space<hbm>> -> memref<64x512xf32, #tpu.memory_space<hbm>>
    %dma_wait3A_524 = arith.constant 0 : i32
    %dma_wait3A_525 = arith.constant 0 : i32
    %dma_wait3A_526 = tpu.memref_slice %arg7[%dma_wait3A_517, %dma_wait3A_524, %dma_wait3A_525] : memref<3x64x512xf32, #tpu.memory_space<vmem>> -> memref<1x64x512xf32, #tpu.memory_space<vmem>>
    %dma_wait3A_527 = tpu.memref_squeeze %dma_wait3A_526 : memref<1x64x512xf32, #tpu.memory_space<vmem>> -> memref<64x512xf32, #tpu.memory_space<vmem>>
    %dma_wait3A_528 = arith.constant 0 : i32
    %dma_wait3A_529 = tpu.memref_slice %arg2[%add3A_391, %dma_wait3A_528] : memref<32768x512xf32, #tpu.memory_space<hbm>> -> memref<64x512xf32, #tpu.memory_space<hbm>>
    tpu.wait_dma2 semaphore(%arg8 : memref<!tpu.dma_semaphore, #tpu.memory_space<semaphore_mem>>) src(%dma_wait3A_529 : memref<64x512xf32, #tpu.memory_space<hbm>>) dst(%dma_wait3A_527 : memref<64x512xf32, #tpu.memory_space<vmem>>)
    %add3A_530 = arith.constant 256 : i32
    %add3A_531 = arith.addi %add3A_57, %add3A_530 : i32
    %dma_start3A_532 = arith.constant 2 : i32
    %dma_start3A_533 = arith.constant 0 : i32
    %dma_start3A_534 = arith.constant 0 : i32
    %dma_start3A_535 = tpu.memref_slice %arg7[%dma_start3A_532, %dma_start3A_533, %dma_start3A_534] : memref<3x64x512xf32, #tpu.memory_space<vmem>> -> memref<1x64x512xf32, #tpu.memory_space<vmem>>
    %dma_start3A_536 = tpu.memref_squeeze %dma_start3A_535 : memref<1x64x512xf32, #tpu.memory_space<vmem>> -> memref<64x512xf32, #tpu.memory_space<vmem>>
    %dma_start3A_537 = arith.constant 0 : i32
    %dma_start3A_538 = tpu.memref_slice %arg4[%add3A_531, %dma_start3A_537] : memref<32768x512xf32, #tpu.memory_space<hbm>> -> memref<64x512xf32, #tpu.memory_space<hbm>>
    %dma_start3A_539 = arith.constant 0 : i32
    %dma_start3A_540 = tpu.memref_slice %arg4[%add3A_531, %dma_start3A_539] : memref<32768x512xf32, #tpu.memory_space<hbm>> -> memref<64x512xf32, #tpu.memory_space<hbm>>
    %dma_start3A_541 = arith.constant 0 : i32
    %dma_start3A_542 = arith.constant 0 : i32
    %dma_start3A_543 = tpu.memref_slice %arg7[%dma_start3A_532, %dma_start3A_541, %dma_start3A_542] : memref<3x64x512xf32, #tpu.memory_space<vmem>> -> memref<1x64x512xf32, #tpu.memory_space<vmem>>
    %dma_start3A_544 = tpu.memref_squeeze %dma_start3A_543 : memref<1x64x512xf32, #tpu.memory_space<vmem>> -> memref<64x512xf32, #tpu.memory_space<vmem>>
    tpu.enqueue_dma source(%dma_start3A_544 : memref<64x512xf32, #tpu.memory_space<vmem>>) target(%dma_start3A_540 : memref<64x512xf32, #tpu.memory_space<hbm>>) target_semaphore(%arg9 : memref<!tpu.dma_semaphore, #tpu.memory_space<semaphore_mem>>)
    %dma_wait3A_545 = arith.constant 2 : i32
    %dma_wait3A_546 = arith.constant 0 : i32
    %dma_wait3A_547 = arith.constant 0 : i32
    %dma_wait3A_548 = tpu.memref_slice %arg7[%dma_wait3A_545, %dma_wait3A_546, %dma_wait3A_547] : memref<3x64x512xf32, #tpu.memory_space<vmem>> -> memref<1x64x512xf32, #tpu.memory_space<vmem>>
    %dma_wait3A_549 = tpu.memref_squeeze %dma_wait3A_548 : memref<1x64x512xf32, #tpu.memory_space<vmem>> -> memref<64x512xf32, #tpu.memory_space<vmem>>
    %dma_wait3A_550 = arith.constant 0 : i32
    %dma_wait3A_551 = tpu.memref_slice %arg4[%add3A_531, %dma_wait3A_550] : memref<32768x512xf32, #tpu.memory_space<hbm>> -> memref<64x512xf32, #tpu.memory_space<hbm>>
    %dma_wait3A_552 = arith.constant 0 : i32
    %dma_wait3A_553 = tpu.memref_slice %arg4[%add3A_531, %dma_wait3A_552] : memref<32768x512xf32, #tpu.memory_space<hbm>> -> memref<64x512xf32, #tpu.memory_space<hbm>>
    %dma_wait3A_554 = arith.constant 0 : i32
    %dma_wait3A_555 = arith.constant 0 : i32
    %dma_wait3A_556 = tpu.memref_slice %arg7[%dma_wait3A_545, %dma_wait3A_554, %dma_wait3A_555] : memref<3x64x512xf32, #tpu.memory_space<vmem>> -> memref<1x64x512xf32, #tpu.memory_space<vmem>>
    %dma_wait3A_557 = tpu.memref_squeeze %dma_wait3A_556 : memref<1x64x512xf32, #tpu.memory_space<vmem>> -> memref<64x512xf32, #tpu.memory_space<vmem>>
    tpu.wait_dma2 semaphore(%arg9 : memref<!tpu.dma_semaphore, #tpu.memory_space<semaphore_mem>>) src(%dma_wait3A_557 : memref<64x512xf32, #tpu.memory_space<vmem>>) dst(%dma_wait3A_553 : memref<64x512xf32, #tpu.memory_space<hbm>>)
    %add3A_558 = arith.constant 448 : i32
    %add3A_559 = arith.addi %add3A_57, %add3A_558 : i32
    %dma_start3A_560 = arith.constant 2 : i32
    %dma_start3A_561 = arith.constant 0 : i32
    %dma_start3A_562 = arith.constant 0 : i32
    %dma_start3A_563 = tpu.memref_slice %arg7[%dma_start3A_560, %dma_start3A_561, %dma_start3A_562] : memref<3x64x512xf32, #tpu.memory_space<vmem>> -> memref<1x64x512xf32, #tpu.memory_space<vmem>>
    %dma_start3A_564 = tpu.memref_squeeze %dma_start3A_563 : memref<1x64x512xf32, #tpu.memory_space<vmem>> -> memref<64x512xf32, #tpu.memory_space<vmem>>
    %dma_start3A_565 = arith.constant 0 : i32
    %dma_start3A_566 = tpu.memref_slice %arg2[%add3A_559, %dma_start3A_565] : memref<32768x512xf32, #tpu.memory_space<hbm>> -> memref<64x512xf32, #tpu.memory_space<hbm>>
    %dma_start3A_567 = arith.constant 0 : i32
    %dma_start3A_568 = arith.constant 0 : i32
    %dma_start3A_569 = tpu.memref_slice %arg7[%dma_start3A_560, %dma_start3A_567, %dma_start3A_568] : memref<3x64x512xf32, #tpu.memory_space<vmem>> -> memref<1x64x512xf32, #tpu.memory_space<vmem>>
    %dma_start3A_570 = tpu.memref_squeeze %dma_start3A_569 : memref<1x64x512xf32, #tpu.memory_space<vmem>> -> memref<64x512xf32, #tpu.memory_space<vmem>>
    %dma_start3A_571 = arith.constant 0 : i32
    %dma_start3A_572 = tpu.memref_slice %arg2[%add3A_559, %dma_start3A_571] : memref<32768x512xf32, #tpu.memory_space<hbm>> -> memref<64x512xf32, #tpu.memory_space<hbm>>
    tpu.enqueue_dma source(%dma_start3A_572 : memref<64x512xf32, #tpu.memory_space<hbm>>) target(%dma_start3A_570 : memref<64x512xf32, #tpu.memory_space<vmem>>) target_semaphore(%arg8 : memref<!tpu.dma_semaphore, #tpu.memory_space<semaphore_mem>>)
    %dma_wait3A_573 = arith.constant 0 : i32
    %dma_wait3A_574 = arith.constant 0 : i32
    %dma_wait3A_575 = arith.constant 0 : i32
    %dma_wait3A_576 = tpu.memref_slice %arg7[%dma_wait3A_573, %dma_wait3A_574, %dma_wait3A_575] : memref<3x64x512xf32, #tpu.memory_space<vmem>> -> memref<1x64x512xf32, #tpu.memory_space<vmem>>
    %dma_wait3A_577 = tpu.memref_squeeze %dma_wait3A_576 : memref<1x64x512xf32, #tpu.memory_space<vmem>> -> memref<64x512xf32, #tpu.memory_space<vmem>>
    %dma_wait3A_578 = arith.constant 0 : i32
    %dma_wait3A_579 = tpu.memref_slice %arg2[%add3A_447, %dma_wait3A_578] : memref<32768x512xf32, #tpu.memory_space<hbm>> -> memref<64x512xf32, #tpu.memory_space<hbm>>
    %dma_wait3A_580 = arith.constant 0 : i32
    %dma_wait3A_581 = arith.constant 0 : i32
    %dma_wait3A_582 = tpu.memref_slice %arg7[%dma_wait3A_573, %dma_wait3A_580, %dma_wait3A_581] : memref<3x64x512xf32, #tpu.memory_space<vmem>> -> memref<1x64x512xf32, #tpu.memory_space<vmem>>
    %dma_wait3A_583 = tpu.memref_squeeze %dma_wait3A_582 : memref<1x64x512xf32, #tpu.memory_space<vmem>> -> memref<64x512xf32, #tpu.memory_space<vmem>>
    %dma_wait3A_584 = arith.constant 0 : i32
    %dma_wait3A_585 = tpu.memref_slice %arg2[%add3A_447, %dma_wait3A_584] : memref<32768x512xf32, #tpu.memory_space<hbm>> -> memref<64x512xf32, #tpu.memory_space<hbm>>
    tpu.wait_dma2 semaphore(%arg8 : memref<!tpu.dma_semaphore, #tpu.memory_space<semaphore_mem>>) src(%dma_wait3A_585 : memref<64x512xf32, #tpu.memory_space<hbm>>) dst(%dma_wait3A_583 : memref<64x512xf32, #tpu.memory_space<vmem>>)
    %add3A_586 = arith.constant 320 : i32
    %add3A_587 = arith.addi %add3A_57, %add3A_586 : i32
    %dma_start3A_588 = arith.constant 0 : i32
    %dma_start3A_589 = arith.constant 0 : i32
    %dma_start3A_590 = arith.constant 0 : i32
    %dma_start3A_591 = tpu.memref_slice %arg7[%dma_start3A_588, %dma_start3A_589, %dma_start3A_590] : memref<3x64x512xf32, #tpu.memory_space<vmem>> -> memref<1x64x512xf32, #tpu.memory_space<vmem>>
    %dma_start3A_592 = tpu.memref_squeeze %dma_start3A_591 : memref<1x64x512xf32, #tpu.memory_space<vmem>> -> memref<64x512xf32, #tpu.memory_space<vmem>>
    %dma_start3A_593 = arith.constant 0 : i32
    %dma_start3A_594 = tpu.memref_slice %arg4[%add3A_587, %dma_start3A_593] : memref<32768x512xf32, #tpu.memory_space<hbm>> -> memref<64x512xf32, #tpu.memory_space<hbm>>
    %dma_start3A_595 = arith.constant 0 : i32
    %dma_start3A_596 = tpu.memref_slice %arg4[%add3A_587, %dma_start3A_595] : memref<32768x512xf32, #tpu.memory_space<hbm>> -> memref<64x512xf32, #tpu.memory_space<hbm>>
    %dma_start3A_597 = arith.constant 0 : i32
    %dma_start3A_598 = arith.constant 0 : i32
    %dma_start3A_599 = tpu.memref_slice %arg7[%dma_start3A_588, %dma_start3A_597, %dma_start3A_598] : memref<3x64x512xf32, #tpu.memory_space<vmem>> -> memref<1x64x512xf32, #tpu.memory_space<vmem>>
    %dma_start3A_600 = tpu.memref_squeeze %dma_start3A_599 : memref<1x64x512xf32, #tpu.memory_space<vmem>> -> memref<64x512xf32, #tpu.memory_space<vmem>>
    tpu.enqueue_dma source(%dma_start3A_600 : memref<64x512xf32, #tpu.memory_space<vmem>>) target(%dma_start3A_596 : memref<64x512xf32, #tpu.memory_space<hbm>>) target_semaphore(%arg9 : memref<!tpu.dma_semaphore, #tpu.memory_space<semaphore_mem>>)
    %dma_wait3A_601 = arith.constant 0 : i32
    %dma_wait3A_602 = arith.constant 0 : i32
    %dma_wait3A_603 = arith.constant 0 : i32
    %dma_wait3A_604 = tpu.memref_slice %arg7[%dma_wait3A_601, %dma_wait3A_602, %dma_wait3A_603] : memref<3x64x512xf32, #tpu.memory_space<vmem>> -> memref<1x64x512xf32, #tpu.memory_space<vmem>>
    %dma_wait3A_605 = tpu.memref_squeeze %dma_wait3A_604 : memref<1x64x512xf32, #tpu.memory_space<vmem>> -> memref<64x512xf32, #tpu.memory_space<vmem>>
    %dma_wait3A_606 = arith.constant 0 : i32
    %dma_wait3A_607 = tpu.memref_slice %arg4[%add3A_587, %dma_wait3A_606] : memref<32768x512xf32, #tpu.memory_space<hbm>> -> memref<64x512xf32, #tpu.memory_space<hbm>>
    %dma_wait3A_608 = arith.constant 0 : i32
    %dma_wait3A_609 = tpu.memref_slice %arg4[%add3A_587, %dma_wait3A_608] : memref<32768x512xf32, #tpu.memory_space<hbm>> -> memref<64x512xf32, #tpu.memory_space<hbm>>
    %dma_wait3A_610 = arith.constant 0 : i32
    %dma_wait3A_611 = arith.constant 0 : i32
    %dma_wait3A_612 = tpu.memref_slice %arg7[%dma_wait3A_601, %dma_wait3A_610, %dma_wait3A_611] : memref<3x64x512xf32, #tpu.memory_space<vmem>> -> memref<1x64x512xf32, #tpu.memory_space<vmem>>
    %dma_wait3A_613 = tpu.memref_squeeze %dma_wait3A_612 : memref<1x64x512xf32, #tpu.memory_space<vmem>> -> memref<64x512xf32, #tpu.memory_space<vmem>>
    tpu.wait_dma2 semaphore(%arg9 : memref<!tpu.dma_semaphore, #tpu.memory_space<semaphore_mem>>) src(%dma_wait3A_613 : memref<64x512xf32, #tpu.memory_space<vmem>>) dst(%dma_wait3A_609 : memref<64x512xf32, #tpu.memory_space<hbm>>)
    %add3A_614 = arith.constant 512 : i32
    %add3A_615 = arith.addi %add3A_57, %add3A_614 : i32
    %dma_start3A_616 = arith.constant 0 : i32
    %dma_start3A_617 = arith.constant 0 : i32
    %dma_start3A_618 = arith.constant 0 : i32
    %dma_start3A_619 = tpu.memref_slice %arg7[%dma_start3A_616, %dma_start3A_617, %dma_start3A_618] : memref<3x64x512xf32, #tpu.memory_space<vmem>> -> memref<1x64x512xf32, #tpu.memory_space<vmem>>
    %dma_start3A_620 = tpu.memref_squeeze %dma_start3A_619 : memref<1x64x512xf32, #tpu.memory_space<vmem>> -> memref<64x512xf32, #tpu.memory_space<vmem>>
    %dma_start3A_621 = arith.constant 0 : i32
    %dma_start3A_622 = tpu.memref_slice %arg2[%add3A_615, %dma_start3A_621] : memref<32768x512xf32, #tpu.memory_space<hbm>> -> memref<64x512xf32, #tpu.memory_space<hbm>>
    %dma_start3A_623 = arith.constant 0 : i32
    %dma_start3A_624 = arith.constant 0 : i32
    %dma_start3A_625 = tpu.memref_slice %arg7[%dma_start3A_616, %dma_start3A_623, %dma_start3A_624] : memref<3x64x512xf32, #tpu.memory_space<vmem>> -> memref<1x64x512xf32, #tpu.memory_space<vmem>>
    %dma_start3A_626 = tpu.memref_squeeze %dma_start3A_625 : memref<1x64x512xf32, #tpu.memory_space<vmem>> -> memref<64x512xf32, #tpu.memory_space<vmem>>
    %dma_start3A_627 = arith.constant 0 : i32
    %dma_start3A_628 = tpu.memref_slice %arg2[%add3A_615, %dma_start3A_627] : memref<32768x512xf32, #tpu.memory_space<hbm>> -> memref<64x512xf32, #tpu.memory_space<hbm>>
    tpu.enqueue_dma source(%dma_start3A_628 : memref<64x512xf32, #tpu.memory_space<hbm>>) target(%dma_start3A_626 : memref<64x512xf32, #tpu.memory_space<vmem>>) target_semaphore(%arg8 : memref<!tpu.dma_semaphore, #tpu.memory_space<semaphore_mem>>)
    %dma_wait3A_629 = arith.constant 1 : i32
    %dma_wait3A_630 = arith.constant 0 : i32
    %dma_wait3A_631 = arith.constant 0 : i32
    %dma_wait3A_632 = tpu.memref_slice %arg7[%dma_wait3A_629, %dma_wait3A_630, %dma_wait3A_631] : memref<3x64x512xf32, #tpu.memory_space<vmem>> -> memref<1x64x512xf32, #tpu.memory_space<vmem>>
    %dma_wait3A_633 = tpu.memref_squeeze %dma_wait3A_632 : memref<1x64x512xf32, #tpu.memory_space<vmem>> -> memref<64x512xf32, #tpu.memory_space<vmem>>
    %dma_wait3A_634 = arith.constant 0 : i32
    %dma_wait3A_635 = tpu.memref_slice %arg2[%add3A_503, %dma_wait3A_634] : memref<32768x512xf32, #tpu.memory_space<hbm>> -> memref<64x512xf32, #tpu.memory_space<hbm>>
    %dma_wait3A_636 = arith.constant 0 : i32
    %dma_wait3A_637 = arith.constant 0 : i32
    %dma_wait3A_638 = tpu.memref_slice %arg7[%dma_wait3A_629, %dma_wait3A_636, %dma_wait3A_637] : memref<3x64x512xf32, #tpu.memory_space<vmem>> -> memref<1x64x512xf32, #tpu.memory_space<vmem>>
    %dma_wait3A_639 = tpu.memref_squeeze %dma_wait3A_638 : memref<1x64x512xf32, #tpu.memory_space<vmem>> -> memref<64x512xf32, #tpu.memory_space<vmem>>
    %dma_wait3A_640 = arith.constant 0 : i32
    %dma_wait3A_641 = tpu.memref_slice %arg2[%add3A_503, %dma_wait3A_640] : memref<32768x512xf32, #tpu.memory_space<hbm>> -> memref<64x512xf32, #tpu.memory_space<hbm>>
    tpu.wait_dma2 semaphore(%arg8 : memref<!tpu.dma_semaphore, #tpu.memory_space<semaphore_mem>>) src(%dma_wait3A_641 : memref<64x512xf32, #tpu.memory_space<hbm>>) dst(%dma_wait3A_639 : memref<64x512xf32, #tpu.memory_space<vmem>>)
    %add3A_642 = arith.constant 384 : i32
    %add3A_643 = arith.addi %add3A_57, %add3A_642 : i32
    %dma_start3A_644 = arith.constant 1 : i32
    %dma_start3A_645 = arith.constant 0 : i32
    %dma_start3A_646 = arith.constant 0 : i32
    %dma_start3A_647 = tpu.memref_slice %arg7[%dma_start3A_644, %dma_start3A_645, %dma_start3A_646] : memref<3x64x512xf32, #tpu.memory_space<vmem>> -> memref<1x64x512xf32, #tpu.memory_space<vmem>>
    %dma_start3A_648 = tpu.memref_squeeze %dma_start3A_647 : memref<1x64x512xf32, #tpu.memory_space<vmem>> -> memref<64x512xf32, #tpu.memory_space<vmem>>
    %dma_start3A_649 = arith.constant 0 : i32
    %dma_start3A_650 = tpu.memref_slice %arg4[%add3A_643, %dma_start3A_649] : memref<32768x512xf32, #tpu.memory_space<hbm>> -> memref<64x512xf32, #tpu.memory_space<hbm>>
    %dma_start3A_651 = arith.constant 0 : i32
    %dma_start3A_652 = tpu.memref_slice %arg4[%add3A_643, %dma_start3A_651] : memref<32768x512xf32, #tpu.memory_space<hbm>> -> memref<64x512xf32, #tpu.memory_space<hbm>>
    %dma_start3A_653 = arith.constant 0 : i32
    %dma_start3A_654 = arith.constant 0 : i32
    %dma_start3A_655 = tpu.memref_slice %arg7[%dma_start3A_644, %dma_start3A_653, %dma_start3A_654] : memref<3x64x512xf32, #tpu.memory_space<vmem>> -> memref<1x64x512xf32, #tpu.memory_space<vmem>>
    %dma_start3A_656 = tpu.memref_squeeze %dma_start3A_655 : memref<1x64x512xf32, #tpu.memory_space<vmem>> -> memref<64x512xf32, #tpu.memory_space<vmem>>
    tpu.enqueue_dma source(%dma_start3A_656 : memref<64x512xf32, #tpu.memory_space<vmem>>) target(%dma_start3A_652 : memref<64x512xf32, #tpu.memory_space<hbm>>) target_semaphore(%arg9 : memref<!tpu.dma_semaphore, #tpu.memory_space<semaphore_mem>>)
    %dma_wait3A_657 = arith.constant 1 : i32
    %dma_wait3A_658 = arith.constant 0 : i32
    %dma_wait3A_659 = arith.constant 0 : i32
    %dma_wait3A_660 = tpu.memref_slice %arg7[%dma_wait3A_657, %dma_wait3A_658, %dma_wait3A_659] : memref<3x64x512xf32, #tpu.memory_space<vmem>> -> memref<1x64x512xf32, #tpu.memory_space<vmem>>
    %dma_wait3A_661 = tpu.memref_squeeze %dma_wait3A_660 : memref<1x64x512xf32, #tpu.memory_space<vmem>> -> memref<64x512xf32, #tpu.memory_space<vmem>>
    %dma_wait3A_662 = arith.constant 0 : i32
    %dma_wait3A_663 = tpu.memref_slice %arg4[%add3A_643, %dma_wait3A_662] : memref<32768x512xf32, #tpu.memory_space<hbm>> -> memref<64x512xf32, #tpu.memory_space<hbm>>
    %dma_wait3A_664 = arith.constant 0 : i32
    %dma_wait3A_665 = tpu.memref_slice %arg4[%add3A_643, %dma_wait3A_664] : memref<32768x512xf32, #tpu.memory_space<hbm>> -> memref<64x512xf32, #tpu.memory_space<hbm>>
    %dma_wait3A_666 = arith.constant 0 : i32
    %dma_wait3A_667 = arith.constant 0 : i32
    %dma_wait3A_668 = tpu.memref_slice %arg7[%dma_wait3A_657, %dma_wait3A_666, %dma_wait3A_667] : memref<3x64x512xf32, #tpu.memory_space<vmem>> -> memref<1x64x512xf32, #tpu.memory_space<vmem>>
    %dma_wait3A_669 = tpu.memref_squeeze %dma_wait3A_668 : memref<1x64x512xf32, #tpu.memory_space<vmem>> -> memref<64x512xf32, #tpu.memory_space<vmem>>
    tpu.wait_dma2 semaphore(%arg9 : memref<!tpu.dma_semaphore, #tpu.memory_space<semaphore_mem>>) src(%dma_wait3A_669 : memref<64x512xf32, #tpu.memory_space<vmem>>) dst(%dma_wait3A_665 : memref<64x512xf32, #tpu.memory_space<hbm>>)
    %add3A_670 = arith.constant 576 : i32
    %add3A_671 = arith.addi %add3A_57, %add3A_670 : i32
    %dma_start3A_672 = arith.constant 1 : i32
    %dma_start3A_673 = arith.constant 0 : i32
    %dma_start3A_674 = arith.constant 0 : i32
    %dma_start3A_675 = tpu.memref_slice %arg7[%dma_start3A_672, %dma_start3A_673, %dma_start3A_674] : memref<3x64x512xf32, #tpu.memory_space<vmem>> -> memref<1x64x512xf32, #tpu.memory_space<vmem>>
    %dma_start3A_676 = tpu.memref_squeeze %dma_start3A_675 : memref<1x64x512xf32, #tpu.memory_space<vmem>> -> memref<64x512xf32, #tpu.memory_space<vmem>>
    %dma_start3A_677 = arith.constant 0 : i32
    %dma_start3A_678 = tpu.memref_slice %arg2[%add3A_671, %dma_start3A_677] : memref<32768x512xf32, #tpu.memory_space<hbm>> -> memref<64x512xf32, #tpu.memory_space<hbm>>
    %dma_start3A_679 = arith.constant 0 : i32
    %dma_start3A_680 = arith.constant 0 : i32
    %dma_start3A_681 = tpu.memref_slice %arg7[%dma_start3A_672, %dma_start3A_679, %dma_start3A_680] : memref<3x64x512xf32, #tpu.memory_space<vmem>> -> memref<1x64x512xf32, #tpu.memory_space<vmem>>
    %dma_start3A_682 = tpu.memref_squeeze %dma_start3A_681 : memref<1x64x512xf32, #tpu.memory_space<vmem>> -> memref<64x512xf32, #tpu.memory_space<vmem>>
    %dma_start3A_683 = arith.constant 0 : i32
    %dma_start3A_684 = tpu.memref_slice %arg2[%add3A_671, %dma_start3A_683] : memref<32768x512xf32, #tpu.memory_space<hbm>> -> memref<64x512xf32, #tpu.memory_space<hbm>>
    tpu.enqueue_dma source(%dma_start3A_684 : memref<64x512xf32, #tpu.memory_space<hbm>>) target(%dma_start3A_682 : memref<64x512xf32, #tpu.memory_space<vmem>>) target_semaphore(%arg8 : memref<!tpu.dma_semaphore, #tpu.memory_space<semaphore_mem>>)
    %dma_wait3A_685 = arith.constant 2 : i32
    %dma_wait3A_686 = arith.constant 0 : i32
    %dma_wait3A_687 = arith.constant 0 : i32
    %dma_wait3A_688 = tpu.memref_slice %arg7[%dma_wait3A_685, %dma_wait3A_686, %dma_wait3A_687] : memref<3x64x512xf32, #tpu.memory_space<vmem>> -> memref<1x64x512xf32, #tpu.memory_space<vmem>>
    %dma_wait3A_689 = tpu.memref_squeeze %dma_wait3A_688 : memref<1x64x512xf32, #tpu.memory_space<vmem>> -> memref<64x512xf32, #tpu.memory_space<vmem>>
    %dma_wait3A_690 = arith.constant 0 : i32
    %dma_wait3A_691 = tpu.memref_slice %arg2[%add3A_559, %dma_wait3A_690] : memref<32768x512xf32, #tpu.memory_space<hbm>> -> memref<64x512xf32, #tpu.memory_space<hbm>>
    %dma_wait3A_692 = arith.constant 0 : i32
    %dma_wait3A_693 = arith.constant 0 : i32
    %dma_wait3A_694 = tpu.memref_slice %arg7[%dma_wait3A_685, %dma_wait3A_692, %dma_wait3A_693] : memref<3x64x512xf32, #tpu.memory_space<vmem>> -> memref<1x64x512xf32, #tpu.memory_space<vmem>>
    %dma_wait3A_695 = tpu.memref_squeeze %dma_wait3A_694 : memref<1x64x512xf32, #tpu.memory_space<vmem>> -> memref<64x512xf32, #tpu.memory_space<vmem>>
    %dma_wait3A_696 = arith.constant 0 : i32
    %dma_wait3A_697 = tpu.memref_slice %arg2[%add3A_559, %dma_wait3A_696] : memref<32768x512xf32, #tpu.memory_space<hbm>> -> memref<64x512xf32, #tpu.memory_space<hbm>>
    tpu.wait_dma2 semaphore(%arg8 : memref<!tpu.dma_semaphore, #tpu.memory_space<semaphore_mem>>) src(%dma_wait3A_697 : memref<64x512xf32, #tpu.memory_space<hbm>>) dst(%dma_wait3A_695 : memref<64x512xf32, #tpu.memory_space<vmem>>)
    %add3A_698 = arith.constant 448 : i32
    %add3A_699 = arith.addi %add3A_57, %add3A_698 : i32
    %dma_start3A_700 = arith.constant 2 : i32
    %dma_start3A_701 = arith.constant 0 : i32
    %dma_start3A_702 = arith.constant 0 : i32
    %dma_start3A_703 = tpu.memref_slice %arg7[%dma_start3A_700, %dma_start3A_701, %dma_start3A_702] : memref<3x64x512xf32, #tpu.memory_space<vmem>> -> memref<1x64x512xf32, #tpu.memory_space<vmem>>
    %dma_start3A_704 = tpu.memref_squeeze %dma_start3A_703 : memref<1x64x512xf32, #tpu.memory_space<vmem>> -> memref<64x512xf32, #tpu.memory_space<vmem>>
    %dma_start3A_705 = arith.constant 0 : i32
    %dma_start3A_706 = tpu.memref_slice %arg4[%add3A_699, %dma_start3A_705] : memref<32768x512xf32, #tpu.memory_space<hbm>> -> memref<64x512xf32, #tpu.memory_space<hbm>>
    %dma_start3A_707 = arith.constant 0 : i32
    %dma_start3A_708 = tpu.memref_slice %arg4[%add3A_699, %dma_start3A_707] : memref<32768x512xf32, #tpu.memory_space<hbm>> -> memref<64x512xf32, #tpu.memory_space<hbm>>
    %dma_start3A_709 = arith.constant 0 : i32
    %dma_start3A_710 = arith.constant 0 : i32
    %dma_start3A_711 = tpu.memref_slice %arg7[%dma_start3A_700, %dma_start3A_709, %dma_start3A_710] : memref<3x64x512xf32, #tpu.memory_space<vmem>> -> memref<1x64x512xf32, #tpu.memory_space<vmem>>
    %dma_start3A_712 = tpu.memref_squeeze %dma_start3A_711 : memref<1x64x512xf32, #tpu.memory_space<vmem>> -> memref<64x512xf32, #tpu.memory_space<vmem>>
    tpu.enqueue_dma source(%dma_start3A_712 : memref<64x512xf32, #tpu.memory_space<vmem>>) target(%dma_start3A_708 : memref<64x512xf32, #tpu.memory_space<hbm>>) target_semaphore(%arg9 : memref<!tpu.dma_semaphore, #tpu.memory_space<semaphore_mem>>)
    %dma_wait3A_713 = arith.constant 2 : i32
    %dma_wait3A_714 = arith.constant 0 : i32
    %dma_wait3A_715 = arith.constant 0 : i32
    %dma_wait3A_716 = tpu.memref_slice %arg7[%dma_wait3A_713, %dma_wait3A_714, %dma_wait3A_715] : memref<3x64x512xf32, #tpu.memory_space<vmem>> -> memref<1x64x512xf32, #tpu.memory_space<vmem>>
    %dma_wait3A_717 = tpu.memref_squeeze %dma_wait3A_716 : memref<1x64x512xf32, #tpu.memory_space<vmem>> -> memref<64x512xf32, #tpu.memory_space<vmem>>
    %dma_wait3A_718 = arith.constant 0 : i32
    %dma_wait3A_719 = tpu.memref_slice %arg4[%add3A_699, %dma_wait3A_718] : memref<32768x512xf32, #tpu.memory_space<hbm>> -> memref<64x512xf32, #tpu.memory_space<hbm>>
    %dma_wait3A_720 = arith.constant 0 : i32
    %dma_wait3A_721 = tpu.memref_slice %arg4[%add3A_699, %dma_wait3A_720] : memref<32768x512xf32, #tpu.memory_space<hbm>> -> memref<64x512xf32, #tpu.memory_space<hbm>>
    %dma_wait3A_722 = arith.constant 0 : i32
    %dma_wait3A_723 = arith.constant 0 : i32
    %dma_wait3A_724 = tpu.memref_slice %arg7[%dma_wait3A_713, %dma_wait3A_722, %dma_wait3A_723] : memref<3x64x512xf32, #tpu.memory_space<vmem>> -> memref<1x64x512xf32, #tpu.memory_space<vmem>>
    %dma_wait3A_725 = tpu.memref_squeeze %dma_wait3A_724 : memref<1x64x512xf32, #tpu.memory_space<vmem>> -> memref<64x512xf32, #tpu.memory_space<vmem>>
    tpu.wait_dma2 semaphore(%arg9 : memref<!tpu.dma_semaphore, #tpu.memory_space<semaphore_mem>>) src(%dma_wait3A_725 : memref<64x512xf32, #tpu.memory_space<vmem>>) dst(%dma_wait3A_721 : memref<64x512xf32, #tpu.memory_space<hbm>>)
    %add3A_726 = arith.constant 640 : i32
    %add3A_727 = arith.addi %add3A_57, %add3A_726 : i32
    %dma_start3A_728 = arith.constant 2 : i32
    %dma_start3A_729 = arith.constant 0 : i32
    %dma_start3A_730 = arith.constant 0 : i32
    %dma_start3A_731 = tpu.memref_slice %arg7[%dma_start3A_728, %dma_start3A_729, %dma_start3A_730] : memref<3x64x512xf32, #tpu.memory_space<vmem>> -> memref<1x64x512xf32, #tpu.memory_space<vmem>>
    %dma_start3A_732 = tpu.memref_squeeze %dma_start3A_731 : memref<1x64x512xf32, #tpu.memory_space<vmem>> -> memref<64x512xf32, #tpu.memory_space<vmem>>
    %dma_start3A_733 = arith.constant 0 : i32
    %dma_start3A_734 = tpu.memref_slice %arg2[%add3A_727, %dma_start3A_733] : memref<32768x512xf32, #tpu.memory_space<hbm>> -> memref<64x512xf32, #tpu.memory_space<hbm>>
    %dma_start3A_735 = arith.constant 0 : i32
    %dma_start3A_736 = arith.constant 0 : i32
    %dma_start3A_737 = tpu.memref_slice %arg7[%dma_start3A_728, %dma_start3A_735, %dma_start3A_736] : memref<3x64x512xf32, #tpu.memory_space<vmem>> -> memref<1x64x512xf32, #tpu.memory_space<vmem>>
    %dma_start3A_738 = tpu.memref_squeeze %dma_start3A_737 : memref<1x64x512xf32, #tpu.memory_space<vmem>> -> memref<64x512xf32, #tpu.memory_space<vmem>>
    %dma_start3A_739 = arith.constant 0 : i32
    %dma_start3A_740 = tpu.memref_slice %arg2[%add3A_727, %dma_start3A_739] : memref<32768x512xf32, #tpu.memory_space<hbm>> -> memref<64x512xf32, #tpu.memory_space<hbm>>
    tpu.enqueue_dma source(%dma_start3A_740 : memref<64x512xf32, #tpu.memory_space<hbm>>) target(%dma_start3A_738 : memref<64x512xf32, #tpu.memory_space<vmem>>) target_semaphore(%arg8 : memref<!tpu.dma_semaphore, #tpu.memory_space<semaphore_mem>>)
    %dma_wait3A_741 = arith.constant 0 : i32
    %dma_wait3A_742 = arith.constant 0 : i32
    %dma_wait3A_743 = arith.constant 0 : i32
    %dma_wait3A_744 = tpu.memref_slice %arg7[%dma_wait3A_741, %dma_wait3A_742, %dma_wait3A_743] : memref<3x64x512xf32, #tpu.memory_space<vmem>> -> memref<1x64x512xf32, #tpu.memory_space<vmem>>
    %dma_wait3A_745 = tpu.memref_squeeze %dma_wait3A_744 : memref<1x64x512xf32, #tpu.memory_space<vmem>> -> memref<64x512xf32, #tpu.memory_space<vmem>>
    %dma_wait3A_746 = arith.constant 0 : i32
    %dma_wait3A_747 = tpu.memref_slice %arg2[%add3A_615, %dma_wait3A_746] : memref<32768x512xf32, #tpu.memory_space<hbm>> -> memref<64x512xf32, #tpu.memory_space<hbm>>
    %dma_wait3A_748 = arith.constant 0 : i32
    %dma_wait3A_749 = arith.constant 0 : i32
    %dma_wait3A_750 = tpu.memref_slice %arg7[%dma_wait3A_741, %dma_wait3A_748, %dma_wait3A_749] : memref<3x64x512xf32, #tpu.memory_space<vmem>> -> memref<1x64x512xf32, #tpu.memory_space<vmem>>
    %dma_wait3A_751 = tpu.memref_squeeze %dma_wait3A_750 : memref<1x64x512xf32, #tpu.memory_space<vmem>> -> memref<64x512xf32, #tpu.memory_space<vmem>>
    %dma_wait3A_752 = arith.constant 0 : i32
    %dma_wait3A_753 = tpu.memref_slice %arg2[%add3A_615, %dma_wait3A_752] : memref<32768x512xf32, #tpu.memory_space<hbm>> -> memref<64x512xf32, #tpu.memory_space<hbm>>
    tpu.wait_dma2 semaphore(%arg8 : memref<!tpu.dma_semaphore, #tpu.memory_space<semaphore_mem>>) src(%dma_wait3A_753 : memref<64x512xf32, #tpu.memory_space<hbm>>) dst(%dma_wait3A_751 : memref<64x512xf32, #tpu.memory_space<vmem>>)
    %add3A_754 = arith.constant 512 : i32
    %add3A_755 = arith.addi %add3A_57, %add3A_754 : i32
    %dma_start3A_756 = arith.constant 0 : i32
    %dma_start3A_757 = arith.constant 0 : i32
    %dma_start3A_758 = arith.constant 0 : i32
    %dma_start3A_759 = tpu.memref_slice %arg7[%dma_start3A_756, %dma_start3A_757, %dma_start3A_758] : memref<3x64x512xf32, #tpu.memory_space<vmem>> -> memref<1x64x512xf32, #tpu.memory_space<vmem>>
    %dma_start3A_760 = tpu.memref_squeeze %dma_start3A_759 : memref<1x64x512xf32, #tpu.memory_space<vmem>> -> memref<64x512xf32, #tpu.memory_space<vmem>>
    %dma_start3A_761 = arith.constant 0 : i32
    %dma_start3A_762 = tpu.memref_slice %arg4[%add3A_755, %dma_start3A_761] : memref<32768x512xf32, #tpu.memory_space<hbm>> -> memref<64x512xf32, #tpu.memory_space<hbm>>
    %dma_start3A_763 = arith.constant 0 : i32
    %dma_start3A_764 = tpu.memref_slice %arg4[%add3A_755, %dma_start3A_763] : memref<32768x512xf32, #tpu.memory_space<hbm>> -> memref<64x512xf32, #tpu.memory_space<hbm>>
    %dma_start3A_765 = arith.constant 0 : i32
    %dma_start3A_766 = arith.constant 0 : i32
    %dma_start3A_767 = tpu.memref_slice %arg7[%dma_start3A_756, %dma_start3A_765, %dma_start3A_766] : memref<3x64x512xf32, #tpu.memory_space<vmem>> -> memref<1x64x512xf32, #tpu.memory_space<vmem>>
    %dma_start3A_768 = tpu.memref_squeeze %dma_start3A_767 : memref<1x64x512xf32, #tpu.memory_space<vmem>> -> memref<64x512xf32, #tpu.memory_space<vmem>>
    tpu.enqueue_dma source(%dma_start3A_768 : memref<64x512xf32, #tpu.memory_space<vmem>>) target(%dma_start3A_764 : memref<64x512xf32, #tpu.memory_space<hbm>>) target_semaphore(%arg9 : memref<!tpu.dma_semaphore, #tpu.memory_space<semaphore_mem>>)
    %dma_wait3A_769 = arith.constant 0 : i32
    %dma_wait3A_770 = arith.constant 0 : i32
    %dma_wait3A_771 = arith.constant 0 : i32
    %dma_wait3A_772 = tpu.memref_slice %arg7[%dma_wait3A_769, %dma_wait3A_770, %dma_wait3A_771] : memref<3x64x512xf32, #tpu.memory_space<vmem>> -> memref<1x64x512xf32, #tpu.memory_space<vmem>>
    %dma_wait3A_773 = tpu.memref_squeeze %dma_wait3A_772 : memref<1x64x512xf32, #tpu.memory_space<vmem>> -> memref<64x512xf32, #tpu.memory_space<vmem>>
    %dma_wait3A_774 = arith.constant 0 : i32
    %dma_wait3A_775 = tpu.memref_slice %arg4[%add3A_755, %dma_wait3A_774] : memref<32768x512xf32, #tpu.memory_space<hbm>> -> memref<64x512xf32, #tpu.memory_space<hbm>>
    %dma_wait3A_776 = arith.constant 0 : i32
    %dma_wait3A_777 = tpu.memref_slice %arg4[%add3A_755, %dma_wait3A_776] : memref<32768x512xf32, #tpu.memory_space<hbm>> -> memref<64x512xf32, #tpu.memory_space<hbm>>
    %dma_wait3A_778 = arith.constant 0 : i32
    %dma_wait3A_779 = arith.constant 0 : i32
    %dma_wait3A_780 = tpu.memref_slice %arg7[%dma_wait3A_769, %dma_wait3A_778, %dma_wait3A_779] : memref<3x64x512xf32, #tpu.memory_space<vmem>> -> memref<1x64x512xf32, #tpu.memory_space<vmem>>
    %dma_wait3A_781 = tpu.memref_squeeze %dma_wait3A_780 : memref<1x64x512xf32, #tpu.memory_space<vmem>> -> memref<64x512xf32, #tpu.memory_space<vmem>>
    tpu.wait_dma2 semaphore(%arg9 : memref<!tpu.dma_semaphore, #tpu.memory_space<semaphore_mem>>) src(%dma_wait3A_781 : memref<64x512xf32, #tpu.memory_space<vmem>>) dst(%dma_wait3A_777 : memref<64x512xf32, #tpu.memory_space<hbm>>)
    %add3A_782 = arith.constant 704 : i32
    %add3A_783 = arith.addi %add3A_57, %add3A_782 : i32
    %dma_start3A_784 = arith.constant 0 : i32
    %dma_start3A_785 = arith.constant 0 : i32
    %dma_start3A_786 = arith.constant 0 : i32
    %dma_start3A_787 = tpu.memref_slice %arg7[%dma_start3A_784, %dma_start3A_785, %dma_start3A_786] : memref<3x64x512xf32, #tpu.memory_space<vmem>> -> memref<1x64x512xf32, #tpu.memory_space<vmem>>
    %dma_start3A_788 = tpu.memref_squeeze %dma_start3A_787 : memref<1x64x512xf32, #tpu.memory_space<vmem>> -> memref<64x512xf32, #tpu.memory_space<vmem>>
    %dma_start3A_789 = arith.constant 0 : i32
    %dma_start3A_790 = tpu.memref_slice %arg2[%add3A_783, %dma_start3A_789] : memref<32768x512xf32, #tpu.memory_space<hbm>> -> memref<64x512xf32, #tpu.memory_space<hbm>>
    %dma_start3A_791 = arith.constant 0 : i32
    %dma_start3A_792 = arith.constant 0 : i32
    %dma_start3A_793 = tpu.memref_slice %arg7[%dma_start3A_784, %dma_start3A_791, %dma_start3A_792] : memref<3x64x512xf32, #tpu.memory_space<vmem>> -> memref<1x64x512xf32, #tpu.memory_space<vmem>>
    %dma_start3A_794 = tpu.memref_squeeze %dma_start3A_793 : memref<1x64x512xf32, #tpu.memory_space<vmem>> -> memref<64x512xf32, #tpu.memory_space<vmem>>
    %dma_start3A_795 = arith.constant 0 : i32
    %dma_start3A_796 = tpu.memref_slice %arg2[%add3A_783, %dma_start3A_795] : memref<32768x512xf32, #tpu.memory_space<hbm>> -> memref<64x512xf32, #tpu.memory_space<hbm>>
    tpu.enqueue_dma source(%dma_start3A_796 : memref<64x512xf32, #tpu.memory_space<hbm>>) target(%dma_start3A_794 : memref<64x512xf32, #tpu.memory_space<vmem>>) target_semaphore(%arg8 : memref<!tpu.dma_semaphore, #tpu.memory_space<semaphore_mem>>)
    %dma_wait3A_797 = arith.constant 1 : i32
    %dma_wait3A_798 = arith.constant 0 : i32
    %dma_wait3A_799 = arith.constant 0 : i32
    %dma_wait3A_800 = tpu.memref_slice %arg7[%dma_wait3A_797, %dma_wait3A_798, %dma_wait3A_799] : memref<3x64x512xf32, #tpu.memory_space<vmem>> -> memref<1x64x512xf32, #tpu.memory_space<vmem>>
    %dma_wait3A_801 = tpu.memref_squeeze %dma_wait3A_800 : memref<1x64x512xf32, #tpu.memory_space<vmem>> -> memref<64x512xf32, #tpu.memory_space<vmem>>
    %dma_wait3A_802 = arith.constant 0 : i32
    %dma_wait3A_803 = tpu.memref_slice %arg2[%add3A_671, %dma_wait3A_802] : memref<32768x512xf32, #tpu.memory_space<hbm>> -> memref<64x512xf32, #tpu.memory_space<hbm>>
    %dma_wait3A_804 = arith.constant 0 : i32
    %dma_wait3A_805 = arith.constant 0 : i32
    %dma_wait3A_806 = tpu.memref_slice %arg7[%dma_wait3A_797, %dma_wait3A_804, %dma_wait3A_805] : memref<3x64x512xf32, #tpu.memory_space<vmem>> -> memref<1x64x512xf32, #tpu.memory_space<vmem>>
    %dma_wait3A_807 = tpu.memref_squeeze %dma_wait3A_806 : memref<1x64x512xf32, #tpu.memory_space<vmem>> -> memref<64x512xf32, #tpu.memory_space<vmem>>
    %dma_wait3A_808 = arith.constant 0 : i32
    %dma_wait3A_809 = tpu.memref_slice %arg2[%add3A_671, %dma_wait3A_808] : memref<32768x512xf32, #tpu.memory_space<hbm>> -> memref<64x512xf32, #tpu.memory_space<hbm>>
    tpu.wait_dma2 semaphore(%arg8 : memref<!tpu.dma_semaphore, #tpu.memory_space<semaphore_mem>>) src(%dma_wait3A_809 : memref<64x512xf32, #tpu.memory_space<hbm>>) dst(%dma_wait3A_807 : memref<64x512xf32, #tpu.memory_space<vmem>>)
    %add3A_810 = arith.constant 576 : i32
    %add3A_811 = arith.addi %add3A_57, %add3A_810 : i32
    %dma_start3A_812 = arith.constant 1 : i32
    %dma_start3A_813 = arith.constant 0 : i32
    %dma_start3A_814 = arith.constant 0 : i32
    %dma_start3A_815 = tpu.memref_slice %arg7[%dma_start3A_812, %dma_start3A_813, %dma_start3A_814] : memref<3x64x512xf32, #tpu.memory_space<vmem>> -> memref<1x64x512xf32, #tpu.memory_space<vmem>>
    %dma_start3A_816 = tpu.memref_squeeze %dma_start3A_815 : memref<1x64x512xf32, #tpu.memory_space<vmem>> -> memref<64x512xf32, #tpu.memory_space<vmem>>
    %dma_start3A_817 = arith.constant 0 : i32
    %dma_start3A_818 = tpu.memref_slice %arg4[%add3A_811, %dma_start3A_817] : memref<32768x512xf32, #tpu.memory_space<hbm>> -> memref<64x512xf32, #tpu.memory_space<hbm>>
    %dma_start3A_819 = arith.constant 0 : i32
    %dma_start3A_820 = tpu.memref_slice %arg4[%add3A_811, %dma_start3A_819] : memref<32768x512xf32, #tpu.memory_space<hbm>> -> memref<64x512xf32, #tpu.memory_space<hbm>>
    %dma_start3A_821 = arith.constant 0 : i32
    %dma_start3A_822 = arith.constant 0 : i32
    %dma_start3A_823 = tpu.memref_slice %arg7[%dma_start3A_812, %dma_start3A_821, %dma_start3A_822] : memref<3x64x512xf32, #tpu.memory_space<vmem>> -> memref<1x64x512xf32, #tpu.memory_space<vmem>>
    %dma_start3A_824 = tpu.memref_squeeze %dma_start3A_823 : memref<1x64x512xf32, #tpu.memory_space<vmem>> -> memref<64x512xf32, #tpu.memory_space<vmem>>
    tpu.enqueue_dma source(%dma_start3A_824 : memref<64x512xf32, #tpu.memory_space<vmem>>) target(%dma_start3A_820 : memref<64x512xf32, #tpu.memory_space<hbm>>) target_semaphore(%arg9 : memref<!tpu.dma_semaphore, #tpu.memory_space<semaphore_mem>>)
    %dma_wait3A_825 = arith.constant 2 : i32
    %dma_wait3A_826 = arith.constant 0 : i32
    %dma_wait3A_827 = arith.constant 0 : i32
    %dma_wait3A_828 = tpu.memref_slice %arg7[%dma_wait3A_825, %dma_wait3A_826, %dma_wait3A_827] : memref<3x64x512xf32, #tpu.memory_space<vmem>> -> memref<1x64x512xf32, #tpu.memory_space<vmem>>
    %dma_wait3A_829 = tpu.memref_squeeze %dma_wait3A_828 : memref<1x64x512xf32, #tpu.memory_space<vmem>> -> memref<64x512xf32, #tpu.memory_space<vmem>>
    %dma_wait3A_830 = arith.constant 0 : i32
    %dma_wait3A_831 = tpu.memref_slice %arg2[%add3A_727, %dma_wait3A_830] : memref<32768x512xf32, #tpu.memory_space<hbm>> -> memref<64x512xf32, #tpu.memory_space<hbm>>
    %dma_wait3A_832 = arith.constant 0 : i32
    %dma_wait3A_833 = arith.constant 0 : i32
    %dma_wait3A_834 = tpu.memref_slice %arg7[%dma_wait3A_825, %dma_wait3A_832, %dma_wait3A_833] : memref<3x64x512xf32, #tpu.memory_space<vmem>> -> memref<1x64x512xf32, #tpu.memory_space<vmem>>
    %dma_wait3A_835 = tpu.memref_squeeze %dma_wait3A_834 : memref<1x64x512xf32, #tpu.memory_space<vmem>> -> memref<64x512xf32, #tpu.memory_space<vmem>>
    %dma_wait3A_836 = arith.constant 0 : i32
    %dma_wait3A_837 = tpu.memref_slice %arg2[%add3A_727, %dma_wait3A_836] : memref<32768x512xf32, #tpu.memory_space<hbm>> -> memref<64x512xf32, #tpu.memory_space<hbm>>
    tpu.wait_dma2 semaphore(%arg8 : memref<!tpu.dma_semaphore, #tpu.memory_space<semaphore_mem>>) src(%dma_wait3A_837 : memref<64x512xf32, #tpu.memory_space<hbm>>) dst(%dma_wait3A_835 : memref<64x512xf32, #tpu.memory_space<vmem>>)
    %add3A_838 = arith.constant 640 : i32
    %add3A_839 = arith.addi %add3A_57, %add3A_838 : i32
    %dma_start3A_840 = arith.constant 2 : i32
    %dma_start3A_841 = arith.constant 0 : i32
    %dma_start3A_842 = arith.constant 0 : i32
    %dma_start3A_843 = tpu.memref_slice %arg7[%dma_start3A_840, %dma_start3A_841, %dma_start3A_842] : memref<3x64x512xf32, #tpu.memory_space<vmem>> -> memref<1x64x512xf32, #tpu.memory_space<vmem>>
    %dma_start3A_844 = tpu.memref_squeeze %dma_start3A_843 : memref<1x64x512xf32, #tpu.memory_space<vmem>> -> memref<64x512xf32, #tpu.memory_space<vmem>>
    %dma_start3A_845 = arith.constant 0 : i32
    %dma_start3A_846 = tpu.memref_slice %arg4[%add3A_839, %dma_start3A_845] : memref<32768x512xf32, #tpu.memory_space<hbm>> -> memref<64x512xf32, #tpu.memory_space<hbm>>
    %dma_start3A_847 = arith.constant 0 : i32
    %dma_start3A_848 = tpu.memref_slice %arg4[%add3A_839, %dma_start3A_847] : memref<32768x512xf32, #tpu.memory_space<hbm>> -> memref<64x512xf32, #tpu.memory_space<hbm>>
    %dma_start3A_849 = arith.constant 0 : i32
    %dma_start3A_850 = arith.constant 0 : i32
    %dma_start3A_851 = tpu.memref_slice %arg7[%dma_start3A_840, %dma_start3A_849, %dma_start3A_850] : memref<3x64x512xf32, #tpu.memory_space<vmem>> -> memref<1x64x512xf32, #tpu.memory_space<vmem>>
    %dma_start3A_852 = tpu.memref_squeeze %dma_start3A_851 : memref<1x64x512xf32, #tpu.memory_space<vmem>> -> memref<64x512xf32, #tpu.memory_space<vmem>>
    tpu.enqueue_dma source(%dma_start3A_852 : memref<64x512xf32, #tpu.memory_space<vmem>>) target(%dma_start3A_848 : memref<64x512xf32, #tpu.memory_space<hbm>>) target_semaphore(%arg9 : memref<!tpu.dma_semaphore, #tpu.memory_space<semaphore_mem>>)
    %dma_wait3A_853 = arith.constant 0 : i32
    %dma_wait3A_854 = arith.constant 0 : i32
    %dma_wait3A_855 = arith.constant 0 : i32
    %dma_wait3A_856 = tpu.memref_slice %arg7[%dma_wait3A_853, %dma_wait3A_854, %dma_wait3A_855] : memref<3x64x512xf32, #tpu.memory_space<vmem>> -> memref<1x64x512xf32, #tpu.memory_space<vmem>>
    %dma_wait3A_857 = tpu.memref_squeeze %dma_wait3A_856 : memref<1x64x512xf32, #tpu.memory_space<vmem>> -> memref<64x512xf32, #tpu.memory_space<vmem>>
    %dma_wait3A_858 = arith.constant 0 : i32
    %dma_wait3A_859 = tpu.memref_slice %arg2[%add3A_783, %dma_wait3A_858] : memref<32768x512xf32, #tpu.memory_space<hbm>> -> memref<64x512xf32, #tpu.memory_space<hbm>>
    %dma_wait3A_860 = arith.constant 0 : i32
    %dma_wait3A_861 = arith.constant 0 : i32
    %dma_wait3A_862 = tpu.memref_slice %arg7[%dma_wait3A_853, %dma_wait3A_860, %dma_wait3A_861] : memref<3x64x512xf32, #tpu.memory_space<vmem>> -> memref<1x64x512xf32, #tpu.memory_space<vmem>>
    %dma_wait3A_863 = tpu.memref_squeeze %dma_wait3A_862 : memref<1x64x512xf32, #tpu.memory_space<vmem>> -> memref<64x512xf32, #tpu.memory_space<vmem>>
    %dma_wait3A_864 = arith.constant 0 : i32
    %dma_wait3A_865 = tpu.memref_slice %arg2[%add3A_783, %dma_wait3A_864] : memref<32768x512xf32, #tpu.memory_space<hbm>> -> memref<64x512xf32, #tpu.memory_space<hbm>>
    tpu.wait_dma2 semaphore(%arg8 : memref<!tpu.dma_semaphore, #tpu.memory_space<semaphore_mem>>) src(%dma_wait3A_865 : memref<64x512xf32, #tpu.memory_space<hbm>>) dst(%dma_wait3A_863 : memref<64x512xf32, #tpu.memory_space<vmem>>)
    %add3A_866 = arith.constant 704 : i32
    %add3A_867 = arith.addi %add3A_57, %add3A_866 : i32
    %dma_start3A_868 = arith.constant 0 : i32
    %dma_start3A_869 = arith.constant 0 : i32
    %dma_start3A_870 = arith.constant 0 : i32
    %dma_start3A_871 = tpu.memref_slice %arg7[%dma_start3A_868, %dma_start3A_869, %dma_start3A_870] : memref<3x64x512xf32, #tpu.memory_space<vmem>> -> memref<1x64x512xf32, #tpu.memory_space<vmem>>
    %dma_start3A_872 = tpu.memref_squeeze %dma_start3A_871 : memref<1x64x512xf32, #tpu.memory_space<vmem>> -> memref<64x512xf32, #tpu.memory_space<vmem>>
    %dma_start3A_873 = arith.constant 0 : i32
    %dma_start3A_874 = tpu.memref_slice %arg4[%add3A_867, %dma_start3A_873] : memref<32768x512xf32, #tpu.memory_space<hbm>> -> memref<64x512xf32, #tpu.memory_space<hbm>>
    %dma_start3A_875 = arith.constant 0 : i32
    %dma_start3A_876 = tpu.memref_slice %arg4[%add3A_867, %dma_start3A_875] : memref<32768x512xf32, #tpu.memory_space<hbm>> -> memref<64x512xf32, #tpu.memory_space<hbm>>
    %dma_start3A_877 = arith.constant 0 : i32
    %dma_start3A_878 = arith.constant 0 : i32
    %dma_start3A_879 = tpu.memref_slice %arg7[%dma_start3A_868, %dma_start3A_877, %dma_start3A_878] : memref<3x64x512xf32, #tpu.memory_space<vmem>> -> memref<1x64x512xf32, #tpu.memory_space<vmem>>
    %dma_start3A_880 = tpu.memref_squeeze %dma_start3A_879 : memref<1x64x512xf32, #tpu.memory_space<vmem>> -> memref<64x512xf32, #tpu.memory_space<vmem>>
    tpu.enqueue_dma source(%dma_start3A_880 : memref<64x512xf32, #tpu.memory_space<vmem>>) target(%dma_start3A_876 : memref<64x512xf32, #tpu.memory_space<hbm>>) target_semaphore(%arg9 : memref<!tpu.dma_semaphore, #tpu.memory_space<semaphore_mem>>)
    %dma_wait3A_881 = arith.constant 1 : i32
    %dma_wait3A_882 = arith.constant 0 : i32
    %dma_wait3A_883 = arith.constant 0 : i32
    %dma_wait3A_884 = tpu.memref_slice %arg7[%dma_wait3A_881, %dma_wait3A_882, %dma_wait3A_883] : memref<3x64x512xf32, #tpu.memory_space<vmem>> -> memref<1x64x512xf32, #tpu.memory_space<vmem>>
    %dma_wait3A_885 = tpu.memref_squeeze %dma_wait3A_884 : memref<1x64x512xf32, #tpu.memory_space<vmem>> -> memref<64x512xf32, #tpu.memory_space<vmem>>
    %dma_wait3A_886 = arith.constant 0 : i32
    %dma_wait3A_887 = tpu.memref_slice %arg4[%add3A_811, %dma_wait3A_886] : memref<32768x512xf32, #tpu.memory_space<hbm>> -> memref<64x512xf32, #tpu.memory_space<hbm>>
    %dma_wait3A_888 = arith.constant 0 : i32
    %dma_wait3A_889 = tpu.memref_slice %arg4[%add3A_811, %dma_wait3A_888] : memref<32768x512xf32, #tpu.memory_space<hbm>> -> memref<64x512xf32, #tpu.memory_space<hbm>>
    %dma_wait3A_890 = arith.constant 0 : i32
    %dma_wait3A_891 = arith.constant 0 : i32
    %dma_wait3A_892 = tpu.memref_slice %arg7[%dma_wait3A_881, %dma_wait3A_890, %dma_wait3A_891] : memref<3x64x512xf32, #tpu.memory_space<vmem>> -> memref<1x64x512xf32, #tpu.memory_space<vmem>>
    %dma_wait3A_893 = tpu.memref_squeeze %dma_wait3A_892 : memref<1x64x512xf32, #tpu.memory_space<vmem>> -> memref<64x512xf32, #tpu.memory_space<vmem>>
    tpu.wait_dma2 semaphore(%arg9 : memref<!tpu.dma_semaphore, #tpu.memory_space<semaphore_mem>>) src(%dma_wait3A_893 : memref<64x512xf32, #tpu.memory_space<vmem>>) dst(%dma_wait3A_889 : memref<64x512xf32, #tpu.memory_space<hbm>>)
    %dma_wait3A_894 = arith.constant 2 : i32
    %dma_wait3A_895 = arith.constant 0 : i32
    %dma_wait3A_896 = arith.constant 0 : i32
    %dma_wait3A_897 = tpu.memref_slice %arg7[%dma_wait3A_894, %dma_wait3A_895, %dma_wait3A_896] : memref<3x64x512xf32, #tpu.memory_space<vmem>> -> memref<1x64x512xf32, #tpu.memory_space<vmem>>
    %dma_wait3A_898 = tpu.memref_squeeze %dma_wait3A_897 : memref<1x64x512xf32, #tpu.memory_space<vmem>> -> memref<64x512xf32, #tpu.memory_space<vmem>>
    %dma_wait3A_899 = arith.constant 0 : i32
    %dma_wait3A_900 = tpu.memref_slice %arg4[%add3A_839, %dma_wait3A_899] : memref<32768x512xf32, #tpu.memory_space<hbm>> -> memref<64x512xf32, #tpu.memory_space<hbm>>
    %dma_wait3A_901 = arith.constant 0 : i32
    %dma_wait3A_902 = tpu.memref_slice %arg4[%add3A_839, %dma_wait3A_901] : memref<32768x512xf32, #tpu.memory_space<hbm>> -> memref<64x512xf32, #tpu.memory_space<hbm>>
    %dma_wait3A_903 = arith.constant 0 : i32
    %dma_wait3A_904 = arith.constant 0 : i32
    %dma_wait3A_905 = tpu.memref_slice %arg7[%dma_wait3A_894, %dma_wait3A_903, %dma_wait3A_904] : memref<3x64x512xf32, #tpu.memory_space<vmem>> -> memref<1x64x512xf32, #tpu.memory_space<vmem>>
    %dma_wait3A_906 = tpu.memref_squeeze %dma_wait3A_905 : memref<1x64x512xf32, #tpu.memory_space<vmem>> -> memref<64x512xf32, #tpu.memory_space<vmem>>
    tpu.wait_dma2 semaphore(%arg9 : memref<!tpu.dma_semaphore, #tpu.memory_space<semaphore_mem>>) src(%dma_wait3A_906 : memref<64x512xf32, #tpu.memory_space<vmem>>) dst(%dma_wait3A_902 : memref<64x512xf32, #tpu.memory_space<hbm>>)
    %dma_wait3A_907 = arith.constant 0 : i32
    %dma_wait3A_908 = arith.constant 0 : i32
    %dma_wait3A_909 = arith.constant 0 : i32
    %dma_wait3A_910 = tpu.memref_slice %arg7[%dma_wait3A_907, %dma_wait3A_908, %dma_wait3A_909] : memref<3x64x512xf32, #tpu.memory_space<vmem>> -> memref<1x64x512xf32, #tpu.memory_space<vmem>>
    %dma_wait3A_911 = tpu.memref_squeeze %dma_wait3A_910 : memref<1x64x512xf32, #tpu.memory_space<vmem>> -> memref<64x512xf32, #tpu.memory_space<vmem>>
    %dma_wait3A_912 = arith.constant 0 : i32
    %dma_wait3A_913 = tpu.memref_slice %arg4[%add3A_867, %dma_wait3A_912] : memref<32768x512xf32, #tpu.memory_space<hbm>> -> memref<64x512xf32, #tpu.memory_space<hbm>>
    %dma_wait3A_914 = arith.constant 0 : i32
    %dma_wait3A_915 = tpu.memref_slice %arg4[%add3A_867, %dma_wait3A_914] : memref<32768x512xf32, #tpu.memory_space<hbm>> -> memref<64x512xf32, #tpu.memory_space<hbm>>
    %dma_wait3A_916 = arith.constant 0 : i32
    %dma_wait3A_917 = arith.constant 0 : i32
    %dma_wait3A_918 = tpu.memref_slice %arg7[%dma_wait3A_907, %dma_wait3A_916, %dma_wait3A_917] : memref<3x64x512xf32, #tpu.memory_space<vmem>> -> memref<1x64x512xf32, #tpu.memory_space<vmem>>
    %dma_wait3A_919 = tpu.memref_squeeze %dma_wait3A_918 : memref<1x64x512xf32, #tpu.memory_space<vmem>> -> memref<64x512xf32, #tpu.memory_space<vmem>>
    tpu.wait_dma2 semaphore(%arg9 : memref<!tpu.dma_semaphore, #tpu.memory_space<semaphore_mem>>) src(%dma_wait3A_919 : memref<64x512xf32, #tpu.memory_space<vmem>>) dst(%dma_wait3A_915 : memref<64x512xf32, #tpu.memory_space<hbm>>)
    return
  }
}

</mosaic_0001>

<sc_bundles>
// kernel: kernel.3.cloned.1.call-start
scs
__scs_entry_jumppad:
0x0: {  	(pc) =	sbr.rel $0x88, $3  }
0x1: {  	(tag) =	ssettag $0x0;
	lr =	simm.s32 $0x1  }
0x2: {  	[smem:$0x3F9F] =	sst lr;
	_ =	strace $0xD0000000  }
0x3: {  	_ = 	snop  }
0x4: {  	_ = 	snop  }
0x5: {  	_ = 	snop  }
0x6: {  	_ = 	snop  }
0x7: {  	_ = 	snop  }
__scs_overlays_trampoline_lowered:
0x8: {  	[smem:$0x3FAE] =	sst s0  }
0x9: {  	[smem:$0x3FAF] =	sst s1  }
0xa: {  	[smem:$0x3FB0] =	sst s2  }
0xb: {  	[smem:$0x3FB1] =	sst s3  }
0xc: {  	[smem:$0x3FB2] =	sst s4  }
0xd: {  	[smem:$0x3FB3] =	sst s5  }
0xe: {  	[smem:$0x3FB4] =	sst s6  }
0xf: {  	[smem:$0x3FB5] =	sst s7  }
0x10: {  	[smem:$0x3FB6] =	sst s8  }
0x11: {  	[smem:$0x3FB7] =	sst s9;
	s0 =	simm.s32 @!p0 $0x0  }
0x12: {  	s1 =	sld [smem:$0x3F9D];
	s0 =	simm.s32 @p0 $0x1  }
0x13: {  	[smem:$0x3FB8] =	sst s0;
	s0 =	simm.s32 @!p1 $0x0  }
0x14: {  	s2 =	sld [smem:$0x3F9C];
	s0 =	simm.s32 @p1 $0x1  }
0x15: {  	[smem:$0x3FB9] =	sst s0;
	s0 =	simm.s32 @!p2 $0x0  }
0x16: {  	s3 =	sld [smem:$0x3FDB];
	s0 =	simm.s32 @p2 $0x1  }
0x17: {  	s4 =	simm.s32 $0x1BF5;
	[smem:$0x3FBB] =	sst s0  }
0x18: {  	s0 =	sld [smem:$0x3F9E];
	_ =	swait.ge [sflag:s4], $0x0  }
0x19: {  	s7 =	sld [smem:$0x3F9F]  }
0x1a: {  	s8 =	sadd.s32 $0xFFFFE003, lr  }
0x1b: {  	s9 =	sadd.s32 $0xFFFFFEF7, lr;
	s5 =	simm.s32 $0xFFFFFFFF;
	p2 =	slt.u32 s8, $0xFFFFF086  }
0x1c: {  	p1 =	slt.u32 s9, $0xF7A;
	s5 =	simm.s32 @!p2 $0x0  }
0x1d: {  	s5 =	simm.s32 @p1 $0x1;
	p0 =	seq.s32 s7, s2  }
0x1e: {  	s7 =	smul.u32 @!p0 $0xF7A, s2;
	p2 =	seq.s32 @!p0 s5, $0x0  }
0x1f: {  	s9 =	smul.u32 $0xF7A, s1;
	s8 =	simm.s32 @!p0 $0x1BF5;
	p2 =	por !p2, p0  }
0x20: {  	[sflag:s8] =	ssyncset.s32 @!p0 $0xFFFFF086;
	s6 =	sadd.s32 @!p0 s3, s7;
	s7 =	simm.s32 @!p0 $0x108  }
0x21: {  	s3 =	sadd.s32 s3, s9;
	s6 =	sadd.s32 @!p0 $0x88, s6;
	s7 =	simm.s32 @p2 $0x1082  }
0x22: {  	[simem:s7], [sflag:s8] =	dma.local @!p0 [hbm:s6], $0xF7A  }
0x23: {  	s9 =	sor.u32 $0xD0000000, s2;
	s6 =	simm.s32 $0x108;
	_ =	swait.ge @!p0 [sflag:s8], $0x0  }
0x24: {  	s3 =	sadd.s32 $0x88, s3;
	s6 =	simm.s32 @!p1 $0x1082;
	[sflag:s4] =	ssyncset.s32 $0xFFFFF086  }
0x25: {  	[simem:s6], [sflag:s4] =	dma.local [hbm:s3], $0xF7A  }
0x26: {  	[smem:$0x3F9F] =	sst s1;
	(tag) =	ssettag s2;
	_ =	strace s9  }
0x27: {  	s1 =	sld [smem:$0x3FAF]  }
0x28: {  	s2 =	sld [smem:$0x3FB0]  }
0x29: {  	s4 =	sld [smem:$0x3FB2]  }
0x2a: {  	p0 =	seq.s32 s5, $0x0;
	s5 =	sld [smem:$0x3FB3]  }
0x2b: {  	s6 =	sld [smem:$0x3FB4]  }
0x2c: {  	s7 =	sld [smem:$0x3FB5]  }
0x2d: {  	s3 =	simm.s32 $0x108;
	s8 =	sld [smem:$0x3FB6]  }
0x2e: {  	s3 =	simm.s32 @!p0 $0x1082;
	s9 =	sld [smem:$0x3FB7]  }
0x2f: {  	lr =	sadd.s32 s0, s3;
	s0 =	sld [smem:$0x3FAE]  }
0x30: {  	s3 =	sld [smem:$0x3FB1]  }
0x31: {  	[smem:$0x3FBA] =	sst s10  }
0x32: {  	s10 =	sld [smem:$0x3FB8];
	_ =	sdelay $0x3  }
0x33: {  	p0 =	seq.s32 s10, $0x1;
	s10 =	sld [smem:$0x3FBA];
	_ =	sdelay $0x3  }
0x34: {  	[smem:$0x3FBA] =	sst s10  }
0x35: {  	s10 =	sld [smem:$0x3FB9];
	_ =	sdelay $0x3  }
0x36: {  	p1 =	seq.s32 s10, $0x1;
	s10 =	sld [smem:$0x3FBA];
	_ =	sdelay $0x3  }
0x37: {  	[smem:$0x3FBA] =	sst s10  }
0x38: {  	s10 =	sld [smem:$0x3FBB]  }
0x39: {  	_ = 	snop;
	(pc) =	sbr.ind lr, $3  }
0x3a: {  	_ = 	snop  }
0x3b: {  	_ = 	snop  }
0x3c: {  	p2 =	seq.s32 s10, $0x1;
	s10 =	sld [smem:$0x3FBA]  }
0x3d: {  	_ =	shalt  }
0x3e: {  	_ =	shalt  }
0x3f: {  	_ =	shalt  }
0x40: {  	_ =	shalt  }
0x41: {  	_ =	shalt  }
0x42: {  	_ =	shalt  }
0x43: {  	_ =	shalt  }
0x44: {  	_ =	shalt  }
0x45: {  	_ =	shalt  }
0x46: {  	_ =	shalt  }
0x47: {  	_ =	shalt  }
0x48: {  	_ =	shalt  }
0x49: {  	_ =	shalt  }
0x4a: {  	_ =	shalt  }
0x4b: {  	_ =	shalt  }
0x4c: {  	_ =	shalt  }
0x4d: {  	_ =	shalt  }
0x4e: {  	_ =	shalt  }
0x4f: {  	_ =	shalt  }
0x50: {  	_ =	shalt  }
0x51: {  	_ =	shalt  }
0x52: {  	_ =	shalt  }
0x53: {  	_ =	shalt  }
0x54: {  	_ =	shalt  }
0x55: {  	_ =	shalt  }
0x56: {  	_ =	shalt  }
0x57: {  	_ =	shalt  }
0x58: {  	_ =	shalt  }
0x59: {  	_ =	shalt  }
0x5a: {  	_ =	shalt  }
0x5b: {  	_ =	shalt  }
0x5c: {  	_ =	shalt  }
0x5d: {  	_ =	shalt  }
0x5e: {  	_ =	shalt  }
0x5f: {  	_ =	shalt  }
0x60: {  	_ =	shalt  }
0x61: {  	_ =	shalt  }
0x62: {  	_ =	shalt  }
0x63: {  	_ =	shalt  }
0x64: {  	_ =	shalt  }
0x65: {  	_ =	shalt  }
0x66: {  	_ =	shalt  }
0x67: {  	_ =	shalt  }
0x68: {  	_ =	shalt  }
0x69: {  	_ =	shalt  }
0x6a: {  	_ =	shalt  }
0x6b: {  	_ =	shalt  }
0x6c: {  	_ =	shalt  }
0x6d: {  	_ =	shalt  }
0x6e: {  	_ =	shalt  }
0x6f: {  	_ =	shalt  }
0x70: {  	_ =	shalt  }
0x71: {  	_ =	shalt  }
0x72: {  	_ =	shalt  }
0x73: {  	_ =	shalt  }
0x74: {  	_ =	shalt  }
0x75: {  	_ =	shalt  }
0x76: {  	_ =	shalt  }
0x77: {  	_ =	shalt  }
0x78: {  	_ =	shalt  }
0x79: {  	_ =	shalt  }
0x7a: {  	_ =	shalt  }
0x7b: {  	_ =	shalt  }
0x7c: {  	_ =	shalt  }
0x7d: {  	_ =	shalt  }
0x7e: {  	_ =	shalt  }
0x7f: {  	_ =	shalt  }
0x80: {  	_ =	shalt  }
0x81: {  	_ =	shalt  }
0x82: {  	_ =	shalt  }
0x83: {  	_ =	shalt  }
0x84: {  	_ =	shalt  }
0x85: {  	_ =	shalt  }
0x86: {  	_ =	shalt  }
0x87: {  	_ =	shalt  }
.Lfunc_end0:
.L_simem_size_0:
called_computation_lowered:
.L_overlay_start_0:
0x88: {  	s2 =	sld [smem:$0x3FD9]  }
0x89: {  	s3 =	sld [smem:$0x3FFE];
	_ =	sdelay $0x1  }
0x8a: {  	s1 =	srdreg.scid  }
0x8b: {  	s0 =	sand.u32 $0x1, s1  }
0x8c: {  	s18 =	sshll.u32 s0, $0xA;
	s2 =	sadd.s32 s3, s2  }
0x8d: {  	s2 =	sadd.s32 s2, s18  }
0x8e: {  	[smem:$0x3FC6] =	sst s2  }
0x8f: {  	_ = 	snop  }
0x90: {  	s2 =	sld [smem:$0x3FC9]  }
0x91: {  	s19 =	sld [smem:$0x3FC8]  }
0x92: {  	s4 =	sld [smem:$0x3FD0];
	(tm) =	ssettm $0x1  }
0x93: {  	s5 =	sld [smem:$0x3FFB];
	_ =	sdelay $0x3  }
0x94: {  	_ =	strace s5  }
0x95: {  	s5 =	sld [smem:$0x3FFC];
	_ =	sdelay $0x3  }
0x96: {  	_ =	strace s5  }
0x97: {  	s5 =	sld [smem:$0x3FFD];
	_ =	sdelay $0x3  }
0x98: {  	_ =	strace s5  }
0x99: {  	_ =	strace $0x8FFFFFFF  }
0x9a: {  	s20 =	sld [smem:$0x3FDB];
	_ =	sdelay $0x1  }
0x9b: {  	s6 =	simm.s32 $_scs_section_size  }
0x9c: {  	s7 =	simm.s32 $_size__tile_overlayer_lowered;
	s8 =	simm.s32 $_tile_overlayer_lowered  }
0x9d: {  	s23 =	simm.s32 $0x1BFF;
	s22 =	sshll.u32 s8, $0x1;
	s5 =	sadd.s32 s6, s20  }
0x9e: {  	s9 =	simm.s32 $0x0;
	s21 =	sshll.u32 s7, $0x1;
	s7 =	sadd.s32 s22, s5  }
0x9f: {  	[timem:s9], [sflag:s23] =	dma.local [hbm:s7], s21  }
0xa0: {  	_ =	swait.ge [sflag:s23], s21  }
0xa1: {  	s6 =	ssub.s32 $0x0, s21;
	[sflag:s23] =	ssyncset.done $0x0  }
0xa2: {  	[sflag:s23] =	ssyncadd.s32 s6;
	_ =	sdelay $0x1  }
0xa3: {  	s24 =	simm.s32 $0x1B8B  }
0xa4: {  	_ =	swait.ge [sflag:s24], $0x1  }
0xa5: {  	[sflag:s24] =	ssyncset.done $0x0  }
0xa6: {  	s25 =	simm.s32 $0x1B8E;
	[sflag:s24] =	ssyncadd.s32 $0xFFFFFFFF  }
0xa7: {  	s26 =	simm.s32 $execute0_lowered;
	[smem:$0x3FD2] =	sst s25  }
0xa8: {  	s6 =	sshll.u32 s26, $0x1;
	_ =	strace $0x80000046;
	[dreg:$0x1] =	wrdreg $0xFFFFFFFF  }
0xa9: {  	s28 =	simm.s32 $_size_execute0_lowered;
	s5 =	sadd.s32 s5, s6;
	[dreg:$0x0] =	wrdreg $0x0  }
0xaa: {  	s6 =	sshll.u32 s28, $0x1;
	[dreg:$0x2] =	wrdreg s5  }
0xab: {  	[dreg:$0x3] =	wrdreg s6  }
0xac: {  	[dreg:$0x4] =	wrdreg $0xC0  }
0xad: {  	_ =	task [dreg:s9], $0x5FFFF  }
0xae: {  	[dreg:$0x1] =	wrdreg $0xFFFFFFFF  }
0xaf: {  	[dreg:$0x0] =	wrdreg $0x60  }
0xb0: {  	[dreg:$0x2] =	wrdreg s2  }
0xb1: {  	[dreg:$0x3] =	wrdreg s19  }
0xb2: {  	[dreg:$0x4] =	wrdreg s4  }
0xb3: {  	[dreg:$0x5] =	wrdreg $0x9  }
0xb4: {  	_ =	task.clear_ibuf [dreg:s9], $0x6FFFF;
	_ =	strace $0x90000046  }
0xb5: {  	s29 =	simm.s32 $0x9;
	_ =	strace $0x80000048  }
0xb6: {  	_ =	swait.ge [sflag:s29], $0x1  }
0xb7: {  	[sflag:s29] =	ssyncadd.s32 $0xFFFFFFFF  }
0xb8: {  	_ =	strace $0x90000048  }
0xb9: {  	_ =	sfence  }
0xba: {  	s30 =	sld [smem:$0x0];
	_ =	sdelay $0x2  }
0xbb: {  	s31 =	sshll.u32 s1, $0xD;
	s1 =	sshrl.u32 s1, $0x2  }
0xbc: {  	s3 =	sand.u32 $0x4000, s31;
	s1 =	sadd.s32 s1, s30  }
0xbd: {  	s0 =	sor.u32 s3, s0;
	s1 =	sshll.u32 s1, $0x11  }
0xbe: {  	s0 =	sor.u32 s1, s0  }
0xbf: {  	s0 =	sadd.s32 $0x8F2B, s0  }
0xc0: {  	[sflag:s0] =	ssyncadd.remote.s32 $0x1  }
0xc1: {  	_ =	sfence.sel $0xFFFF  }
0xc2: {  	[dreg:$0x0] =	wrdreg $0xFFFFFFFF;
	(pc) =	sbr.abs _section_cstart, $3  }
0xc3: {  	[dreg:$0x1] =	wrdreg $0xFFFFFFFF  }
0xc4: {  	_ =	task.clear_ibuf [dreg:s9], $0x2FFFF;
	_ =	strace $0x9FFFFFFF  }
0xc5: {  	(tm) =	ssettm $0x7FFFFFFF  }
tec
execute0_lowered:
.L_overlay_start_1:
0x0: {  	(tag) =	ssettag $0x1  }
0x1: {  	s0 =	srdreg.scid  }
0x2: {  	s5 =	stileid.u32;
	s0 =	sand.u32 $0x1, s0  }
0x3: {  	s1 =	rddreg [dreg:$0x0];
	s2 =	sor.u32 s0, s5  }
0x4: {  	s3 =	simm.s32 $0x1;
	p1 =	seq.s32 s0, $0x1;
	p0 =	seq.s32 s2, $0x0  }
0x5: {  	s4 =	simm.s32 $0x0;
	s28 =	simm.s32 $0x8300;
	p0 =	por !p0, !p1  }
0x6: {  	s29 =	simm.s32 $0x10300;
	s31 =	simm.s32 $0x0;
	p0 =	por !p0, !p0  }
0x7: {  	[smem:$0x7FF] =	sst s4;
	s10 =	smul.u32 $0x300, s0;
	s3 =	simm.s32 @!p0 $0x0  }
0x8: {  	s6 =	ssub.s32 $0x2, s0;
	s7 =	sshll.u32 s0, $0xE;
	s3 =	ssub.s32 s5, s3  }
0x9: {  	s2 =	rddreg [dreg:$0x2];
	s30 =	sshll.u32 s3, $0xB;
	s3 =	sshll.u32 s3, $0x11  }
0xa: {  	_ =	strace $0x80000047;
	s8 =	sshrl.u32 s6, $0x1;
	s3 =	sor.u32 s7, s3  }
0xb: {  	s6 =	ssub.s32 s6, s8;
	s5 =	sor.u32 s30, s10;
	s7 =	sand.u32 $0x1FFE4000, s3  }
0xc: {  	s5 =	sadd.s32 $0x200, s5;
	s3 =	sadd.s32 s2, s3;
	s12 =	sadd.s32 s7, s2  }
0xd: {  	s11 =	sshll.u32 s5, $0x6;
	[dreg:$0x4] =	wrdreg s3;
	s9 =	sadd.s32 $0x1000, s12  }
0xe: {  	v0 =	vmov s30;
	s30 =	simm.s32 $0x2;
	s14 =	sadd.s32 s1, s11;
	[dreg:$0x5] =	wrdreg s9  }
0xf: {  	s13 =	sand.u32 $0x1FFFC000, s11;
	s10 =	sadd.s32 $0x2000, s12;
	[dreg:$0x6] =	wrdreg s14  }
0x10: {  	s3 =	sadd.s32 $0x3000, s12;
	s19 =	sadd.s32 s2, s11;
	[dreg:$0x7] =	wrdreg s10  }
0x11: {  	s15 =	sor.u32 $0x1000, s13;
	s17 =	sor.u32 $0x2000, s13;
	[dreg:$0x9] =	wrdreg s3  }
0x12: {  	s3 =	sshll.u32 s5, $0x9;
	[dreg:$0xb] =	wrdreg s19;
	s20 =	sor.u32 $0x3000, s13  }
0x13: {  	s16 =	sadd.s32 s1, s15;
	s18 =	sadd.s32 s1, s17;
	s21 =	sadd.s32 $0x20000, s3  }
0x14: {  	s22 =	sadd.s32 s1, s20;
	s23 =	sadd.s32 s2, s15;
	[dreg:$0x8] =	wrdreg s16  }
0x15: {  	s25 =	sadd.s32 s2, s17;
	s26 =	sadd.s32 $0x28000, s3;
	[dreg:$0xa] =	wrdreg s18  }
0x16: {  	s5 =	sadd.s32 s2, s20;
	s9 =	sadd.s32 $0x30000, s3;
	[dreg:$0xc] =	wrdreg s22  }
0x17: {  	s10 =	sadd.s32 $0x38000, s3;
	s12 =	sadd.s32 $0x40000, s3;
	[dreg:$0xd] =	wrdreg s23  }
0x18: {  	s14 =	sadd.s32 $0x48000, s3;
	s7 =	sshrl.u32 s21, $0x3;
	[dreg:$0xf] =	wrdreg s25  }
0x19: {  	s8 =	sshrl.u32 s26, $0x3;
	[dreg:$0x10] =	wrdreg s5;
	s25 =	smax.u32 s6, $0x1  }
0x1a: {  	s5 =	sshrl.u32 s9, $0x3;
	s24 =	sadd.s32 s1, s7;
	[smem:$0x7FD] =	sst s25  }
0x1b: {  	s13 =	sshrl.u32 s12, $0x3;
	s7 =	sadd.s32 s2, s7;
	[dreg:$0xe] =	wrdreg s24  }
0x1c: {  	s16 =	sshrl.u32 s14, $0x3;
	s11 =	sadd.s32 s1, s8;
	[dreg:$0x11] =	wrdreg s7  }
0x1d: {  	s18 =	sadd.s32 $0x50000, s3;
	s8 =	sadd.s32 s2, s8;
	[dreg:$0x12] =	wrdreg s11  }
0x1e: {  	s3 =	sadd.s32 $0x58000, s3;
	s15 =	sadd.s32 s1, s5;
	[dreg:$0x13] =	wrdreg s8  }
0x1f: {  	s9 =	sadd.s32 $0x100, s1;
	s5 =	sadd.s32 s2, s5;
	[dreg:$0x14] =	wrdreg s15  }
0x20: {  	s19 =	sadd.s32 s1, s13;
	s3 =	sshrl.u32 s3, $0x3;
	[dreg:$0x15] =	wrdreg s5  }
0x21: {  	s20 =	sadd.s32 s1, s16;
	s25 =	simm.s32 $0x7300;
	[dreg:$0x18] =	wrdreg s19  }
0x22: {  	s7 =	sshrl.u32 s10, $0x3;
	s8 =	sadd.s32 s2, s13;
	[dreg:$0x1a] =	wrdreg s20  }
0x23: {  	s5 =	sadd.s32 s2, s16;
	s23 =	sadd.s32 s1, s3;
	s24 =	sshll.u32 s0, $0xA  }
0x24: {  	s10 =	simm.s32 $0x3;
	s11 =	simm.s32 $0x300;
	[dreg:$0x19] =	wrdreg s8  }
0x25: {  	s16 =	simm.s32 $0x2B00;
	s19 =	simm.s32 $0x4300;
	[dreg:$0x1b] =	wrdreg s5  }
0x26: {  	s20 =	simm.s32 $0x4B00;
	s17 =	sadd.s32 s1, s7;
	[dreg:$0x1f] =	wrdreg s23  }
0x27: {  	s7 =	sadd.s32 s2, s7;
	s8 =	simm.s32 $0x1;
	[dreg:$0x16] =	wrdreg s17  }
0x28: {  	s23 =	simm.s32 $0x6300;
	[dreg:$0x17] =	wrdreg s7;
	s7 =	sshrl.u32 s18, $0x3  }
0x29: {  	s17 =	simm.s32 $0x3300;
	s18 =	simm.s32 $0x3B00;
	s21 =	sadd.s32 s1, s7  }
0x2a: {  	s22 =	sadd.s32 s2, s7;
	s2 =	sadd.s32 s2, s3;
	[dreg:$0x1c] =	wrdreg s21  }
0x2b: {  	s3 =	sshll.u32 s0, $0x4;
	s0 =	sshll.u32 s0, $0x8;
	[dreg:$0x1d] =	wrdreg s22  }
0x2c: {  	v4 =	vlaneseq.u32;
	[dreg:$0x1e] =	wrdreg s2;
	s2 =	ssub.s32 $0x0, s24;
	s6 =	sadd.s32 $0x100, s0  }
0x2d: {  	vm0 =	vmmov $0xffff;
	v1 =	vadd.s32 $0xFFFFFFFF, v4;
	v3 =	vshrl.u32 v4, $0x3;
	s21 =	simm.s32 $0x5300;
	s22 =	simm.s32 $0x5B00;
	s26 =	sshra.s32 s2, $0x2  }
0x2e: {  	v2 =	vand.u32 $0x7, v4;
	v4 =	vor.u32 $0x8, v4;
	v3 =	vmul.u32 $0x8, v3;
	s24 =	simm.s32 $0x6B00;
	s12 =	sadd.s32 $0x200, s26;
	s26 =	simm.s32 $0x7B00  }
.LBB2_1:
0x2f: {  	s0 =	rddreg [dreg:$0x1];
	p1 =	sne.s32 s6, $0x10  }
0x30: {  	[tilespmem:s4], [sflag:$0x3] =	stream.linear.gather [hbm4b:s0+s4], $0x200, $0x38;
	[tilespmem:$0x18300] =	vst v63  }
.Ltmp0:
0x31: {  	_ = 	snop;
	(pc) =	sbr.rel @!p1 .LBB2_2-.Ltmp0, $4  }
0x32: {  	_ =	swait.ge [sflag:s10], $0x200  }
0x33: {  	[sflag:s10] =	ssyncset.done $0x0  }
0x34: {  	[sflag:s10] =	ssyncadd.s32 $0xFFFFFE00  }
0x35: {  	s2 =	simm.s32 $0xFFFFFFFF;
	p0 =	por $0x0, $0x0;
	s0 =	simm.s32 $0x10;
	v5 =	vld [tilespmem:s4+$0x0]  }
0x36: {  	_ =	sdelay $0x2  }
0x37: {  	v6 =	vadd.s32 s4, v1  }
0x38: {  	vm1 =	veq.s32 v5, v6;
	v5 =	vxor.u32 $0x80000000, v5  }
0x39: {  	v5 =	vsel vm1, $0x7FFFFFFF, v5  }
0x3a: {  	(xrf0) =	vmax.scan.msk.u32 $0xffff, v5;
	_ =	sdelay $0x5  }
0x3b: {  	v5, _, _ =	vpop (xrf0)  }
0x3c: {  	v5 =	vxor.u32 $0x80000000, v5  }
0x3d: {  	vm1 =	vgt.s32 v5, s2  }
0x3e: {  	v5 =	vnsel vm1, s2, v5  }
0x3f: {  	v6 =	vxor.u32 $0x80000000, v5  }
0x40: {  	(xrf0) =	vmax.scan.msk.u32 $0xffff, v6;
	_ =	sdelay $0x1  }
0x41: {  	p0 =	sgt.u32 s3, $0x0  }
0x42: {  	v5 =	vadd.s32 @!p0 v0, v5  }
0x43: {  	p1 =	sne.s32 s6, $0x20  }
.Ltmp1:
0x44: {  	_ = 	snop;
	(pc) =	sbr.rel @!p1 .LBB2_4-.Ltmp1, $4  }
0x45: {  	[tilespmem:s12+$0x0] =	vst @!p0 v5;
	v5, _, _ =	vpop (xrf0)  }
0x46: {  	(v2sf) =	vpush v5, $0xF  }
0x47: {  	s13 =	simm.s32 $0x20;
	s5 =	simm.s32 $0x0  }
0x48: {  	s7 =	smov.u32 s12;
	s14 =	simm.s32 $0x10;
	p0 =	por $0x1, $0x1;
	v5 =	vld [tilespmem:s0+$0x0]  }
.LBB2_5:
0x49: {  	_ =	sdelay $0x2  }
0x4a: {  	v6 =	vadd.s32 s0, v1;
	s0 =	smov.u32 s13;
	s13 =	sadd.s32 $0x10, s13  }
0x4b: {  	p1 =	sne.s32 s6, s13;
	vm1 =	veq.s32 v5, v6;
	v5 =	vxor.u32 $0x80000000, v5  }
0x4c: {  	v5 =	vsel vm1, $0x7FFFFFFF, v5  }
0x4d: {  	(xrf0) =	vmax.scan.msk.u32 $0xffff, v5;
	_ =	sdelay $0x5  }
0x4e: {  	v5, _, _ =	vpop (xrf0);
	s15 =	spop (v2sf)  }
0x4f: {  	v5 =	vxor.u32 $0x80000000, v5;
	s15 =	sxor.u32 $0x80000000, s15  }
0x50: {  	s5 =	sadd.s32 $0x1, s5;
	vm1 =	vgt.s32 v5, s15  }
0x51: {  	p2 =	slt.u32 s5, s3;
	v5 =	vnsel vm1, s15, v5  }
0x52: {  	s7 =	sadd.s32 $0x10, s7;
	v6 =	vadd.s32 @!p2 v0, v5;
	v5 =	vxor.u32 $0x80000000, v5  }
0x53: {  	[tilespmem:s7+$0x0] =	vst @!p2 v6;
	(xrf0) =	vmax.scan.msk.u32 $0xffff, v5;
	_ =	sdelay $0x4  }
.Ltmp2:
0x54: {  	(pc) =	sbr.rel @p1 .LBB2_5-.Ltmp2, $4  }
0x55: {  	v5, _, _ =	vpop (xrf0)  }
0x56: {  	(v2sf) =	vpush v5, $0xF  }
0x57: {  	s14 =	sadd.s32 $0x10, s14  }
0x58: {  	v5 =	vld [tilespmem:s14+$0x0]  }
.LBB2_6:
0x59: {  	_ =	sdelay $0x3  }
0x5a: {  	v6 =	vadd.s32 s0, v1  }
0x5b: {  	vm1 =	veq.s32 v5, v6;
	v5 =	vxor.u32 $0x80000000, v5  }
0x5c: {  	v5 =	vsel vm1, $0x7FFFFFFF, v5  }
0x5d: {  	(xrf0) =	vmax.scan.msk.u32 $0xffff, v5;
	_ =	sdelay $0x4  }
0x5e: {  	s0 =	spop @p0 (v2sf)  }
0x5f: {  	v5, _, _ =	vpop (xrf0);
	s0 =	sxor.u32 @p0 $0x80000000, s0  }
0x60: {  	v5 =	vxor.u32 $0x80000000, v5;
	s2 =	smov.u32 @p0 s0;
	s0 =	sadd.s32 @p0 $0x1, s5;
	s5 =	simm.s32 $0x0  }
0x61: {  	s5 =	smov.u32 @p0 s0;
	vm1 =	vgt.s32 v5, s2  }
0x62: {  	s0 =	sadd.s32 @p0 $0x10, s7;
	v5 =	vnsel vm1, s2, v5;
	p1 =	slt.u32 s5, s3;
	s2 =	smov.u32 s12  }
0x63: {  	s2 =	smov.u32 @p0 s0;
	v6 =	vadd.s32 @!p1 v0, v5  }
0x64: {  	[tilespmem:s2+$0x0] =	vst @!p1 v6  }
0x65: {  	v6 =	vld [tilespmem:$0x200];
	_ =	sdelay $0x4  }
0x66: {  	v7 =	vshll.u32 v6, $0x2  }
0x67: {  	v6 =	vand.u32 $0x7, v6;
	v7 =	vand.u32 $0xFFFFFFE0, v7  }
0x68: {  	v6 =	vor.u32 v6, v7  }
0x69: {  	v7 =	vperm.xlane v6, v2;
	_ =	sdelay $0x1  }
0x6a: {  	v7 =	vadd.s32 v3, v7;
	_ =	sdelay $0x1  }
0x6b: {  	v6 =	vperm.xlane v6, v4;
	_ =	sdelay $0x1  }
0x6c: {  	v6 =	vadd.s32 v3, v6  }
0x6d: {  	[tilespmem:s11], [sflag:$0x1] =	stream.indirect_vreg.gather [hbm4b:s1+s4], $0x80, v7, vm0, $0xb8;
	[tilespmem:$0x18300] =	vst v63  }
0x6e: {  	s2 =	simm.s32 $0xB00  }
0x6f: {  	[tilespmem:s2], [sflag:$0x1] =	stream.indirect_vreg.gather [hbm4b:s9+s4], $0x80, v7, vm0, $0xb8;
	[tilespmem:$0x18300] =	vst v63  }
0x70: {  	s5 =	simm.s32 $0x1300  }
0x71: {  	[tilespmem:s5], [sflag:$0x1] =	stream.indirect_vreg.gather [hbm4b:s1+s4], $0x80, v6, vm0, $0xb8;
	[tilespmem:$0x18300] =	vst v63  }
0x72: {  	s7 =	simm.s32 $0x1B00  }
0x73: {  	[tilespmem:s7], [sflag:$0x1] =	stream.indirect_vreg.gather [hbm4b:s9+s4], $0x80, v6, vm0, $0xb8;
	[tilespmem:$0x18300] =	vst v63  }
0x74: {  	v6 =	vld [tilespmem:$0x210];
	_ =	sdelay $0x4  }
0x75: {  	v7 =	vshll.u32 v6, $0x2  }
0x76: {  	v6 =	vand.u32 $0x7, v6;
	v7 =	vand.u32 $0xFFFFFFE0, v7  }
0x77: {  	v6 =	vor.u32 v6, v7  }
0x78: {  	v7 =	vperm.xlane v6, v2;
	_ =	sdelay $0x1  }
0x79: {  	v7 =	vadd.s32 v3, v7;
	_ =	sdelay $0x1  }
0x7a: {  	v6 =	vperm.xlane v6, v4;
	_ =	sdelay $0x1  }
0x7b: {  	s13 =	simm.s32 $0x2300;
	v6 =	vadd.s32 v3, v6  }
0x7c: {  	[tilespmem:s13], [sflag:$0x1] =	stream.indirect_vreg.gather [hbm4b:s1+s4], $0x80, v7, vm0, $0xb8;
	[tilespmem:$0x18300] =	vst v63  }
0x7d: {  	_ = 	snop  }
0x7e: {  	[tilespmem:s16], [sflag:$0x1] =	stream.indirect_vreg.gather [hbm4b:s9+s4], $0x80, v7, vm0, $0xb8;
	[tilespmem:$0x18300] =	vst v63  }
0x7f: {  	_ = 	snop  }
0x80: {  	[tilespmem:s17], [sflag:$0x1] =	stream.indirect_vreg.gather [hbm4b:s1+s4], $0x80, v6, vm0, $0xb8;
	[tilespmem:$0x18300] =	vst v63  }
0x81: {  	_ = 	snop  }
0x82: {  	[tilespmem:s18], [sflag:$0x1] =	stream.indirect_vreg.gather [hbm4b:s9+s4], $0x80, v6, vm0, $0xb8;
	[tilespmem:$0x18300] =	vst v63  }
0x83: {  	v6 =	vld [tilespmem:$0x220];
	_ =	sdelay $0x4  }
0x84: {  	v7 =	vshll.u32 v6, $0x2  }
0x85: {  	v6 =	vand.u32 $0x7, v6;
	v7 =	vand.u32 $0xFFFFFFE0, v7  }
0x86: {  	v6 =	vor.u32 v6, v7  }
0x87: {  	v7 =	vperm.xlane v6, v2;
	_ =	sdelay $0x1  }
0x88: {  	v7 =	vadd.s32 v3, v7;
	_ =	sdelay $0x1  }
0x89: {  	v6 =	vperm.xlane v6, v4;
	_ =	sdelay $0x1  }
0x8a: {  	v6 =	vadd.s32 v3, v6  }
0x8b: {  	[tilespmem:s19], [sflag:$0x1] =	stream.indirect_vreg.gather [hbm4b:s1+s4], $0x80, v7, vm0, $0xb8;
	[tilespmem:$0x18300] =	vst v63  }
0x8c: {  	_ = 	snop  }
0x8d: {  	[tilespmem:s20], [sflag:$0x1] =	stream.indirect_vreg.gather [hbm4b:s9+s4], $0x80, v7, vm0, $0xb8;
	[tilespmem:$0x18300] =	vst v63  }
0x8e: {  	_ = 	snop  }
0x8f: {  	[tilespmem:s21], [sflag:$0x1] =	stream.indirect_vreg.gather [hbm4b:s1+s4], $0x80, v6, vm0, $0xb8;
	[tilespmem:$0x18300] =	vst v63  }
0x90: {  	_ = 	snop  }
0x91: {  	[tilespmem:s22], [sflag:$0x1] =	stream.indirect_vreg.gather [hbm4b:s9+s4], $0x80, v6, vm0, $0xb8;
	[tilespmem:$0x18300] =	vst v63  }
0x92: {  	v6 =	vld [tilespmem:$0x230];
	_ =	sdelay $0x4  }
0x93: {  	v7 =	vshll.u32 v6, $0x2  }
0x94: {  	v6 =	vand.u32 $0x7, v6;
	v7 =	vand.u32 $0xFFFFFFE0, v7  }
0x95: {  	v6 =	vor.u32 v6, v7  }
0x96: {  	v7 =	vperm.xlane v6, v2;
	_ =	sdelay $0x1  }
0x97: {  	v7 =	vadd.s32 v3, v7;
	_ =	sdelay $0x1  }
0x98: {  	v6 =	vperm.xlane v6, v4;
	_ =	sdelay $0x1  }
0x99: {  	v6 =	vadd.s32 v3, v6  }
0x9a: {  	[tilespmem:s23], [sflag:$0x1] =	stream.indirect_vreg.gather [hbm4b:s1+s4], $0x80, v7, vm0, $0xb8;
	[tilespmem:$0x18300] =	vst v63  }
0x9b: {  	_ = 	snop  }
0x9c: {  	[tilespmem:s24], [sflag:$0x1] =	stream.indirect_vreg.gather [hbm4b:s9+s4], $0x80, v7, vm0, $0xb8;
	[tilespmem:$0x18300] =	vst v63  }
0x9d: {  	_ = 	snop  }
0x9e: {  	[tilespmem:s25], [sflag:$0x1] =	stream.indirect_vreg.gather [hbm4b:s1+s4], $0x80, v6, vm0, $0xb8;
	[tilespmem:$0x18300] =	vst v63  }
0x9f: {  	_ = 	snop  }
0xa0: {  	[tilespmem:s26], [sflag:$0x1] =	stream.indirect_vreg.gather [hbm4b:s9+s4], $0x80, v6, vm0, $0xb8;
	[tilespmem:$0x18300] =	vst v63  }
0xa1: {  	v6 =	vld [tilespmem:$0x240];
	_ =	sdelay $0x4  }
0xa2: {  	v7 =	vshll.u32 v6, $0x2  }
0xa3: {  	v6 =	vand.u32 $0x7, v6;
	v7 =	vand.u32 $0xFFFFFFE0, v7  }
0xa4: {  	v6 =	vor.u32 v6, v7  }
0xa5: {  	v7 =	vperm.xlane v6, v2;
	_ =	sdelay $0x1  }
0xa6: {  	v7 =	vadd.s32 v3, v7;
	_ =	sdelay $0x1  }
0xa7: {  	v6 =	vperm.xlane v6, v4;
	_ =	sdelay $0x1  }
0xa8: {  	v6 =	vadd.s32 v3, v6  }
0xa9: {  	[tilespmem:s28], [sflag:$0x1] =	stream.indirect_vreg.gather [hbm4b:s1+s4], $0x80, v7, vm0, $0xb8;
	[tilespmem:$0x18300] =	vst v63  }
0xaa: {  	s15 =	simm.s32 $0x8B00  }
0xab: {  	[tilespmem:s15], [sflag:$0x1] =	stream.indirect_vreg.gather [hbm4b:s9+s4], $0x80, v7, vm0, $0xb8;
	[tilespmem:$0x18300] =	vst v63  }
0xac: {  	s14 =	simm.s32 $0x9300  }
0xad: {  	[tilespmem:s14], [sflag:$0x1] =	stream.indirect_vreg.gather [hbm4b:s1+s4], $0x80, v6, vm0, $0xb8;
	[tilespmem:$0x18300] =	vst v63  }
0xae: {  	s15 =	simm.s32 $0x9B00  }
0xaf: {  	[tilespmem:s15], [sflag:$0x1] =	stream.indirect_vreg.gather [hbm4b:s9+s4], $0x80, v6, vm0, $0xb8;
	[tilespmem:$0x18300] =	vst v63  }
0xb0: {  	v6 =	vld [tilespmem:$0x250];
	_ =	sdelay $0x4  }
0xb1: {  	v7 =	vshll.u32 v6, $0x2  }
0xb2: {  	v6 =	vand.u32 $0x7, v6;
	v7 =	vand.u32 $0xFFFFFFE0, v7  }
0xb3: {  	v6 =	vor.u32 v6, v7  }
0xb4: {  	v7 =	vperm.xlane v6, v2;
	_ =	sdelay $0x1  }
0xb5: {  	v7 =	vadd.s32 v3, v7;
	_ =	sdelay $0x1  }
0xb6: {  	v6 =	vperm.xlane v6, v4;
	_ =	sdelay $0x1  }
0xb7: {  	s14 =	simm.s32 $0xA300;
	v6 =	vadd.s32 v3, v6  }
0xb8: {  	[tilespmem:s14], [sflag:$0x1] =	stream.indirect_vreg.gather [hbm4b:s1+s4], $0x80, v7, vm0, $0xb8;
	[tilespmem:$0x18300] =	vst v63  }
0xb9: {  	s15 =	simm.s32 $0xAB00  }
0xba: {  	[tilespmem:s15], [sflag:$0x1] =	stream.indirect_vreg.gather [hbm4b:s9+s4], $0x80, v7, vm0, $0xb8;
	[tilespmem:$0x18300] =	vst v63  }
0xbb: {  	s14 =	simm.s32 $0xB300  }
0xbc: {  	[tilespmem:s14], [sflag:$0x1] =	stream.indirect_vreg.gather [hbm4b:s1+s4], $0x80, v6, vm0, $0xb8;
	[tilespmem:$0x18300] =	vst v63  }
0xbd: {  	s15 =	simm.s32 $0xBB00  }
0xbe: {  	[tilespmem:s15], [sflag:$0x1] =	stream.indirect_vreg.gather [hbm4b:s9+s4], $0x80, v6, vm0, $0xb8;
	[tilespmem:$0x18300] =	vst v63  }
0xbf: {  	v6 =	vld [tilespmem:$0x260];
	_ =	sdelay $0x4  }
0xc0: {  	v7 =	vshll.u32 v6, $0x2  }
0xc1: {  	v6 =	vand.u32 $0x7, v6;
	v7 =	vand.u32 $0xFFFFFFE0, v7  }
0xc2: {  	v6 =	vor.u32 v6, v7  }
0xc3: {  	v7 =	vperm.xlane v6, v2;
	_ =	sdelay $0x1  }
0xc4: {  	v7 =	vadd.s32 v3, v7;
	_ =	sdelay $0x1  }
0xc5: {  	v6 =	vperm.xlane v6, v4;
	_ =	sdelay $0x1  }
0xc6: {  	s14 =	simm.s32 $0xC300;
	v6 =	vadd.s32 v3, v6  }
0xc7: {  	[tilespmem:s14], [sflag:$0x1] =	stream.indirect_vreg.gather [hbm4b:s1+s4], $0x80, v7, vm0, $0xb8;
	[tilespmem:$0x18300] =	vst v63  }
0xc8: {  	s15 =	simm.s32 $0xCB00  }
0xc9: {  	[tilespmem:s15], [sflag:$0x1] =	stream.indirect_vreg.gather [hbm4b:s9+s4], $0x80, v7, vm0, $0xb8;
	[tilespmem:$0x18300] =	vst v63  }
0xca: {  	s14 =	simm.s32 $0xD300  }
0xcb: {  	[tilespmem:s14], [sflag:$0x1] =	stream.indirect_vreg.gather [hbm4b:s1+s4], $0x80, v6, vm0, $0xb8;
	[tilespmem:$0x18300] =	vst v63  }
0xcc: {  	s15 =	simm.s32 $0xDB00  }
0xcd: {  	[tilespmem:s15], [sflag:$0x1] =	stream.indirect_vreg.gather [hbm4b:s9+s4], $0x80, v6, vm0, $0xb8;
	[tilespmem:$0x18300] =	vst v63  }
0xce: {  	v6 =	vld [tilespmem:$0x270];
	_ =	sdelay $0x4  }
0xcf: {  	v7 =	vshll.u32 v6, $0x2  }
0xd0: {  	v6 =	vand.u32 $0x7, v6;
	v7 =	vand.u32 $0xFFFFFFE0, v7  }
0xd1: {  	v6 =	vor.u32 v6, v7  }
0xd2: {  	v7 =	vperm.xlane v6, v2;
	_ =	sdelay $0x1  }
0xd3: {  	v7 =	vadd.s32 v3, v7;
	_ =	sdelay $0x1  }
0xd4: {  	v6 =	vperm.xlane v6, v4;
	_ =	sdelay $0x1  }
0xd5: {  	s14 =	simm.s32 $0xE300;
	v6 =	vadd.s32 v3, v6  }
0xd6: {  	[tilespmem:s14], [sflag:$0x1] =	stream.indirect_vreg.gather [hbm4b:s1+s4], $0x80, v7, vm0, $0xb8;
	[tilespmem:$0x18300] =	vst v63  }
0xd7: {  	s15 =	simm.s32 $0xEB00  }
0xd8: {  	[tilespmem:s15], [sflag:$0x1] =	stream.indirect_vreg.gather [hbm4b:s9+s4], $0x80, v7, vm0, $0xb8;
	[tilespmem:$0x18300] =	vst v63  }
0xd9: {  	s14 =	simm.s32 $0xF300  }
0xda: {  	[tilespmem:s14], [sflag:$0x1] =	stream.indirect_vreg.gather [hbm4b:s1+s4], $0x80, v6, vm0, $0xb8;
	[tilespmem:$0x18300] =	vst v63  }
0xdb: {  	s15 =	simm.s32 $0xFB00  }
0xdc: {  	[tilespmem:s15], [sflag:$0x1] =	stream.indirect_vreg.gather [hbm4b:s9+s4], $0x80, v6, vm0, $0xb8;
	[tilespmem:$0x18300] =	vst v63  }
0xdd: {  	v6 =	vld [tilespmem:$0x280];
	_ =	sdelay $0x4  }
0xde: {  	v7 =	vshll.u32 v6, $0x2  }
0xdf: {  	v6 =	vand.u32 $0x7, v6;
	v7 =	vand.u32 $0xFFFFFFE0, v7  }
0xe0: {  	v6 =	vor.u32 v6, v7  }
0xe1: {  	v7 =	vperm.xlane v6, v2;
	_ =	sdelay $0x1  }
0xe2: {  	v7 =	vadd.s32 v3, v7;
	_ =	sdelay $0x1  }
0xe3: {  	v6 =	vperm.xlane v6, v4;
	_ =	sdelay $0x1  }
0xe4: {  	v6 =	vadd.s32 v3, v6  }
0xe5: {  	[tilespmem:s29], [sflag:$0x1] =	stream.indirect_vreg.gather [hbm4b:s1+s4], $0x80, v7, vm0, $0xb8;
	[tilespmem:$0x18300] =	vst v63  }
0xe6: {  	s14 =	simm.s32 $0x10B00  }
0xe7: {  	[tilespmem:s14], [sflag:$0x1] =	stream.indirect_vreg.gather [hbm4b:s9+s4], $0x80, v7, vm0, $0xb8;
	[tilespmem:$0x18300] =	vst v63  }
0xe8: {  	s15 =	simm.s32 $0x11300  }
0xe9: {  	[tilespmem:s15], [sflag:$0x1] =	stream.indirect_vreg.gather [hbm4b:s1+s4], $0x80, v6, vm0, $0xb8;
	[tilespmem:$0x18300] =	vst v63  }
0xea: {  	s14 =	simm.s32 $0x11B00  }
0xeb: {  	[tilespmem:s14], [sflag:$0x1] =	stream.indirect_vreg.gather [hbm4b:s9+s4], $0x80, v6, vm0, $0xb8;
	[tilespmem:$0x18300] =	vst v63  }
0xec: {  	v6 =	vld [tilespmem:$0x290];
	_ =	sdelay $0x4  }
0xed: {  	v7 =	vshll.u32 v6, $0x2  }
0xee: {  	v6 =	vand.u32 $0x7, v6;
	v7 =	vand.u32 $0xFFFFFFE0, v7  }
0xef: {  	v6 =	vor.u32 v6, v7  }
0xf0: {  	v7 =	vperm.xlane v6, v2;
	_ =	sdelay $0x1  }
0xf1: {  	v7 =	vadd.s32 v3, v7;
	_ =	sdelay $0x1  }
0xf2: {  	v6 =	vperm.xlane v6, v4;
	_ =	sdelay $0x1  }
0xf3: {  	s15 =	simm.s32 $0x12300;
	v6 =	vadd.s32 v3, v6  }
0xf4: {  	[tilespmem:s15], [sflag:$0x1] =	stream.indirect_vreg.gather [hbm4b:s1+s4], $0x80, v7, vm0, $0xb8;
	[tilespmem:$0x18300] =	vst v63  }
0xf5: {  	s14 =	simm.s32 $0x12B00  }
0xf6: {  	[tilespmem:s14], [sflag:$0x1] =	stream.indirect_vreg.gather [hbm4b:s9+s4], $0x80, v7, vm0, $0xb8;
	[tilespmem:$0x18300] =	vst v63  }
0xf7: {  	s15 =	simm.s32 $0x13300  }
0xf8: {  	[tilespmem:s15], [sflag:$0x1] =	stream.indirect_vreg.gather [hbm4b:s1+s4], $0x80, v6, vm0, $0xb8;
	[tilespmem:$0x18300] =	vst v63  }
0xf9: {  	s14 =	simm.s32 $0x13B00  }
0xfa: {  	[tilespmem:s14], [sflag:$0x1] =	stream.indirect_vreg.gather [hbm4b:s9+s4], $0x80, v6, vm0, $0xb8;
	[tilespmem:$0x18300] =	vst v63  }
0xfb: {  	v6 =	vld [tilespmem:$0x2A0];
	_ =	sdelay $0x4  }
0xfc: {  	v7 =	vshll.u32 v6, $0x2  }
0xfd: {  	v6 =	vand.u32 $0x7, v6;
	v7 =	vand.u32 $0xFFFFFFE0, v7  }
0xfe: {  	v6 =	vor.u32 v6, v7  }
0xff: {  	v7 =	vperm.xlane v6, v2;
	_ =	sdelay $0x1  }
0x100: {  	v7 =	vadd.s32 v3, v7;
	_ =	sdelay $0x1  }
0x101: {  	v6 =	vperm.xlane v6, v4;
	_ =	sdelay $0x1  }
0x102: {  	s15 =	simm.s32 $0x14300;
	v6 =	vadd.s32 v3, v6  }
0x103: {  	[tilespmem:s15], [sflag:$0x1] =	stream.indirect_vreg.gather [hbm4b:s1+s4], $0x80, v7, vm0, $0xb8;
	[tilespmem:$0x18300] =	vst v63  }
0x104: {  	s14 =	simm.s32 $0x14B00  }
0x105: {  	[tilespmem:s14], [sflag:$0x1] =	stream.indirect_vreg.gather [hbm4b:s9+s4], $0x80, v7, vm0, $0xb8;
	[tilespmem:$0x18300] =	vst v63  }
0x106: {  	s15 =	simm.s32 $0x15300  }
0x107: {  	v5 =	vxor.u32 $0x80000000, v5;
	[tilespmem:s15], [sflag:$0x1] =	stream.indirect_vreg.gather [hbm4b:s1+s4], $0x80, v6, vm0, $0xb8;
	[tilespmem:$0x18300] =	vst v63  }
0x108: {  	(xrf0) =	vmax.scan.msk.u32 $0xffff, v5;
	s14 =	simm.s32 $0x15B00  }
0x109: {  	[tilespmem:s14], [sflag:$0x1] =	stream.indirect_vreg.gather [hbm4b:s9+s4], $0x80, v6, vm0, $0xb8;
	[tilespmem:$0x18300] =	vst v63  }
0x10a: {  	v5 =	vld [tilespmem:$0x2B0];
	_ =	sdelay $0x3  }
0x10b: {  	v6, _, _ =	vpop (xrf0)  }
0x10c: {  	(v2sf) =	vpush v6, $0xF;
	v6 =	vshll.u32 v5, $0x2  }
0x10d: {  	v5 =	vand.u32 $0x7, v5;
	v6 =	vand.u32 $0xFFFFFFE0, v6  }
0x10e: {  	v5 =	vor.u32 v5, v6  }
0x10f: {  	v6 =	vperm.xlane v5, v2;
	_ =	sdelay $0x1  }
0x110: {  	v6 =	vadd.s32 v3, v6;
	_ =	sdelay $0x1  }
0x111: {  	v5 =	vperm.xlane v5, v4;
	_ =	sdelay $0x1  }
0x112: {  	s15 =	simm.s32 $0x16300;
	v5 =	vadd.s32 v3, v5  }
0x113: {  	[tilespmem:s15], [sflag:$0x1] =	stream.indirect_vreg.gather [hbm4b:s1+s4], $0x80, v6, vm0, $0xb8;
	[tilespmem:$0x18300] =	vst v63  }
0x114: {  	s14 =	simm.s32 $0x16B00  }
0x115: {  	[tilespmem:s14], [sflag:$0x1] =	stream.indirect_vreg.gather [hbm4b:s9+s4], $0x80, v6, vm0, $0xb8;
	[tilespmem:$0x18300] =	vst v63  }
0x116: {  	s15 =	simm.s32 $0x17300  }
0x117: {  	[tilespmem:s15], [sflag:$0x1] =	stream.indirect_vreg.gather [hbm4b:s1+s4], $0x80, v5, vm0, $0xb8;
	[tilespmem:$0x18300] =	vst v63  }
0x118: {  	s0 =	simm.s32 $0x17B00;
	s14 =	spop (v2sf)  }
0x119: {  	[tilespmem:s0], [sflag:$0x1] =	stream.indirect_vreg.gather [hbm4b:s9+s4], $0x80, v5, vm0, $0xb8;
	[tilespmem:$0x18300] =	vst v63  }
0x11a: {  	_ =	swait.ge [sflag:s8], $0x8000  }
0x11b: {  	[sflag:s8] =	ssyncset.done $0x0  }
0x11c: {  	s15 =	rddreg [dreg:$0x4];
	[sflag:s8] =	ssyncadd.s32 $0xFFFF8000  }
0x11d: {  	[hbm4b:s15+s4] =	stream.linear.scatter [tilespmem:s11], [sflag:$0x2], $0x8000, $0x38;
	[tilespmem:$0x18300] =	vst v63  }
0x11e: {  	_ =	swait.ge [sflag:s30], $0x8000  }
0x11f: {  	[sflag:s30] =	ssyncset.done $0x0  }
0x120: {  	[sflag:s30] =	ssyncadd.s32 $0xFFFF8000  }
0x121: {  	v5 =	vld [tilespmem:$0x2C0];
	_ =	sdelay $0x4  }
0x122: {  	v6 =	vshll.u32 v5, $0x2  }
0x123: {  	v5 =	vand.u32 $0x7, v5;
	v6 =	vand.u32 $0xFFFFFFE0, v6  }
0x124: {  	v5 =	vor.u32 v5, v6  }
0x125: {  	v6 =	vperm.xlane v5, v2;
	_ =	sdelay $0x1  }
0x126: {  	v6 =	vadd.s32 v3, v6;
	_ =	sdelay $0x1  }
0x127: {  	v5 =	vperm.xlane v5, v4;
	_ =	sdelay $0x1  }
0x128: {  	v5 =	vadd.s32 v3, v5  }
0x129: {  	[tilespmem:s11], [sflag:$0x1] =	stream.indirect_vreg.gather [hbm4b:s1+s4], $0x80, v6, vm0, $0xb8;
	[tilespmem:$0x18300] =	vst v63  }
0x12a: {  	_ = 	snop  }
0x12b: {  	[tilespmem:s2], [sflag:$0x1] =	stream.indirect_vreg.gather [hbm4b:s9+s4], $0x80, v6, vm0, $0xb8;
	[tilespmem:$0x18300] =	vst v63  }
0x12c: {  	_ = 	snop  }
0x12d: {  	[tilespmem:s5], [sflag:$0x1] =	stream.indirect_vreg.gather [hbm4b:s1+s4], $0x80, v5, vm0, $0xb8;
	[tilespmem:$0x18300] =	vst v63  }
0x12e: {  	_ = 	snop  }
0x12f: {  	[tilespmem:s7], [sflag:$0x1] =	stream.indirect_vreg.gather [hbm4b:s9+s4], $0x80, v5, vm0, $0xb8;
	[tilespmem:$0x18300] =	vst v63  }
0x130: {  	v5 =	vld [tilespmem:$0x2D0];
	_ =	sdelay $0x4  }
0x131: {  	v6 =	vshll.u32 v5, $0x2  }
0x132: {  	v5 =	vand.u32 $0x7, v5;
	v6 =	vand.u32 $0xFFFFFFE0, v6  }
0x133: {  	v5 =	vor.u32 v5, v6  }
0x134: {  	v6 =	vperm.xlane v5, v2;
	_ =	sdelay $0x1  }
0x135: {  	v6 =	vadd.s32 v3, v6;
	_ =	sdelay $0x1  }
0x136: {  	v5 =	vperm.xlane v5, v4;
	_ =	sdelay $0x1  }
0x137: {  	v5 =	vadd.s32 v3, v5  }
0x138: {  	[tilespmem:s13], [sflag:$0x1] =	stream.indirect_vreg.gather [hbm4b:s1+s4], $0x80, v6, vm0, $0xb8;
	[tilespmem:$0x18300] =	vst v63  }
0x139: {  	_ = 	snop  }
0x13a: {  	[tilespmem:s16], [sflag:$0x1] =	stream.indirect_vreg.gather [hbm4b:s9+s4], $0x80, v6, vm0, $0xb8;
	[tilespmem:$0x18300] =	vst v63  }
0x13b: {  	_ = 	snop  }
0x13c: {  	[tilespmem:s17], [sflag:$0x1] =	stream.indirect_vreg.gather [hbm4b:s1+s4], $0x80, v5, vm0, $0xb8;
	[tilespmem:$0x18300] =	vst v63  }
0x13d: {  	_ = 	snop  }
0x13e: {  	[tilespmem:s18], [sflag:$0x1] =	stream.indirect_vreg.gather [hbm4b:s9+s4], $0x80, v5, vm0, $0xb8;
	[tilespmem:$0x18300] =	vst v63  }
0x13f: {  	v5 =	vld [tilespmem:$0x2E0];
	_ =	sdelay $0x4  }
0x140: {  	v6 =	vshll.u32 v5, $0x2  }
0x141: {  	v5 =	vand.u32 $0x7, v5;
	v6 =	vand.u32 $0xFFFFFFE0, v6  }
0x142: {  	v5 =	vor.u32 v5, v6  }
0x143: {  	v6 =	vperm.xlane v5, v2;
	_ =	sdelay $0x1  }
0x144: {  	v6 =	vadd.s32 v3, v6;
	_ =	sdelay $0x1  }
0x145: {  	v5 =	vperm.xlane v5, v4;
	_ =	sdelay $0x1  }
0x146: {  	v5 =	vadd.s32 v3, v5  }
0x147: {  	[tilespmem:s19], [sflag:$0x1] =	stream.indirect_vreg.gather [hbm4b:s1+s4], $0x80, v6, vm0, $0xb8;
	[tilespmem:$0x18300] =	vst v63  }
0x148: {  	_ = 	snop  }
0x149: {  	[tilespmem:s20], [sflag:$0x1] =	stream.indirect_vreg.gather [hbm4b:s9+s4], $0x80, v6, vm0, $0xb8;
	[tilespmem:$0x18300] =	vst v63  }
0x14a: {  	_ = 	snop  }
0x14b: {  	[tilespmem:s21], [sflag:$0x1] =	stream.indirect_vreg.gather [hbm4b:s1+s4], $0x80, v5, vm0, $0xb8;
	[tilespmem:$0x18300] =	vst v63  }
0x14c: {  	_ = 	snop  }
0x14d: {  	[tilespmem:s22], [sflag:$0x1] =	stream.indirect_vreg.gather [hbm4b:s9+s4], $0x80, v5, vm0, $0xb8;
	[tilespmem:$0x18300] =	vst v63  }
0x14e: {  	v5 =	vld [tilespmem:$0x2F0];
	_ =	sdelay $0x4  }
0x14f: {  	v6 =	vshll.u32 v5, $0x2  }
0x150: {  	v5 =	vand.u32 $0x7, v5;
	v6 =	vand.u32 $0xFFFFFFE0, v6  }
0x151: {  	v5 =	vor.u32 v5, v6  }
0x152: {  	v6 =	vperm.xlane v5, v2;
	_ =	sdelay $0x1  }
0x153: {  	v6 =	vadd.s32 v3, v6;
	_ =	sdelay $0x1  }
0x154: {  	v5 =	vperm.xlane v5, v4;
	_ =	sdelay $0x1  }
0x155: {  	v5 =	vadd.s32 v3, v5  }
0x156: {  	[tilespmem:s23], [sflag:$0x1] =	stream.indirect_vreg.gather [hbm4b:s1+s4], $0x80, v6, vm0, $0xb8;
	[tilespmem:$0x18300] =	vst v63  }
0x157: {  	_ = 	snop  }
0x158: {  	[tilespmem:s24], [sflag:$0x1] =	stream.indirect_vreg.gather [hbm4b:s9+s4], $0x80, v6, vm0, $0xb8;
	[tilespmem:$0x18300] =	vst v63  }
0x159: {  	_ = 	snop  }
0x15a: {  	[tilespmem:s25], [sflag:$0x1] =	stream.indirect_vreg.gather [hbm4b:s1+s4], $0x80, v5, vm0, $0xb8;
	[tilespmem:$0x18300] =	vst v63  }
0x15b: {  	_ = 	snop  }
0x15c: {  	[tilespmem:s26], [sflag:$0x1] =	stream.indirect_vreg.gather [hbm4b:s9+s4], $0x80, v5, vm0, $0xb8;
	[tilespmem:$0x18300] =	vst v63  }
0x15d: {  	_ =	swait.ge [sflag:s8], $0x8000  }
0x15e: {  	[sflag:s8] =	ssyncset.done $0x0  }
0x15f: {  	s7 =	rddreg [dreg:$0x5];
	[sflag:s8] =	ssyncadd.s32 $0xFFFF8000  }
0x160: {  	[hbm4b:s7+s4] =	stream.linear.scatter [tilespmem:s28], [sflag:$0x2], $0x8000, $0x38;
	[tilespmem:$0x18300] =	vst v63  }
0x161: {  	_ =	swait.ge [sflag:s30], $0x8000  }
0x162: {  	[sflag:s30] =	ssyncset.done $0x0  }
0x163: {  	s13 =	rddreg [dreg:$0x6];
	[sflag:s30] =	ssyncadd.s32 $0xFFFF8000  }
0x164: {  	[tilespmem:s28], [sflag:$0x1] =	stream.linear.gather [hbm4b:s13+s4], $0x8000, $0x38;
	[tilespmem:$0x18300] =	vst v63  }
0x165: {  	_ =	swait.ge [sflag:s8], $0x8000  }
0x166: {  	[sflag:s8] =	ssyncset.done $0x0  }
0x167: {  	s14 =	rddreg [dreg:$0x7];
	[sflag:s8] =	ssyncadd.s32 $0xFFFF8000  }
0x168: {  	[hbm4b:s14+s4] =	stream.linear.scatter [tilespmem:s29], [sflag:$0x2], $0x8000, $0x38;
	[tilespmem:$0x18300] =	vst v63  }
0x169: {  	_ =	swait.ge [sflag:s30], $0x8000  }
0x16a: {  	[sflag:s30] =	ssyncset.done $0x0  }
0x16b: {  	s15 =	rddreg [dreg:$0x8];
	[sflag:s30] =	ssyncadd.s32 $0xFFFF8000  }
0x16c: {  	[tilespmem:s29], [sflag:$0x1] =	stream.linear.gather [hbm4b:s15+s4], $0x8000, $0x38;
	[tilespmem:$0x18300] =	vst v63  }
0x16d: {  	_ =	swait.ge [sflag:s8], $0x8000  }
0x16e: {  	[sflag:s8] =	ssyncset.done $0x0  }
0x16f: {  	s2 =	rddreg [dreg:$0x9];
	[sflag:s8] =	ssyncadd.s32 $0xFFFF8000  }
0x170: {  	[hbm4b:s2+s4] =	stream.linear.scatter [tilespmem:s11], [sflag:$0x2], $0x8000, $0x38;
	[tilespmem:$0x18300] =	vst v63  }
0x171: {  	_ =	swait.ge [sflag:s30], $0x8000  }
0x172: {  	[sflag:s30] =	ssyncset.done $0x0  }
0x173: {  	s5 =	rddreg [dreg:$0xa];
	[sflag:s30] =	ssyncadd.s32 $0xFFFF8000  }
0x174: {  	[tilespmem:s11], [sflag:$0x1] =	stream.linear.gather [hbm4b:s5+s4], $0x8000, $0x38;
	[tilespmem:$0x18300] =	vst v63  }
0x175: {  	_ =	swait.ge [sflag:s8], $0x8000  }
0x176: {  	[sflag:s8] =	ssyncset.done $0x0  }
0x177: {  	s7 =	rddreg [dreg:$0xb];
	[sflag:s8] =	ssyncadd.s32 $0xFFFF8000  }
0x178: {  	[hbm4b:s7+s4] =	stream.linear.scatter [tilespmem:s28], [sflag:$0x2], $0x8000, $0x38;
	[tilespmem:$0x18300] =	vst v63  }
0x179: {  	_ =	swait.ge [sflag:s30], $0x8000  }
0x17a: {  	[sflag:s30] =	ssyncset.done $0x0  }
0x17b: {  	s13 =	rddreg [dreg:$0xc];
	[sflag:s30] =	ssyncadd.s32 $0xFFFF8000  }
0x17c: {  	[tilespmem:s28], [sflag:$0x1] =	stream.linear.gather [hbm4b:s13+s4], $0x8000, $0x38;
	[tilespmem:$0x18300] =	vst v63  }
0x17d: {  	_ =	swait.ge [sflag:s8], $0x8000  }
0x17e: {  	[sflag:s8] =	ssyncset.done $0x0  }
0x17f: {  	s14 =	rddreg [dreg:$0xd];
	[sflag:s8] =	ssyncadd.s32 $0xFFFF8000  }
0x180: {  	[hbm4b:s14+s4] =	stream.linear.scatter [tilespmem:s29], [sflag:$0x2], $0x8000, $0x38;
	[tilespmem:$0x18300] =	vst v63  }
0x181: {  	_ =	swait.ge [sflag:s30], $0x8000  }
0x182: {  	[sflag:s30] =	ssyncset.done $0x0  }
0x183: {  	s15 =	rddreg [dreg:$0xe];
	[sflag:s30] =	ssyncadd.s32 $0xFFFF8000  }
0x184: {  	[tilespmem:s29], [sflag:$0x1] =	stream.linear.gather [hbm4b:s15+s4], $0x8000, $0x38;
	[tilespmem:$0x18300] =	vst v63  }
0x185: {  	_ =	swait.ge [sflag:s8], $0x8000  }
0x186: {  	[sflag:s8] =	ssyncset.done $0x0  }
0x187: {  	s2 =	rddreg [dreg:$0xf];
	[sflag:s8] =	ssyncadd.s32 $0xFFFF8000  }
0x188: {  	[hbm4b:s2+s4] =	stream.linear.scatter [tilespmem:s11], [sflag:$0x2], $0x8000, $0x38;
	[tilespmem:$0x18300] =	vst v63  }
0x189: {  	_ =	swait.ge [sflag:s30], $0x8000  }
0x18a: {  	[sflag:s30] =	ssyncset.done $0x0  }
0x18b: {  	s5 =	rddreg [dreg:$0x12];
	[sflag:s30] =	ssyncadd.s32 $0xFFFF8000  }
0x18c: {  	[tilespmem:s11], [sflag:$0x1] =	stream.linear.gather [hbm4b:s5+s4], $0x8000, $0x38;
	[tilespmem:$0x18300] =	vst v63  }
0x18d: {  	_ =	swait.ge [sflag:s8], $0x8000  }
0x18e: {  	[sflag:s8] =	ssyncset.done $0x0  }
0x18f: {  	s7 =	rddreg [dreg:$0x10];
	[sflag:s8] =	ssyncadd.s32 $0xFFFF8000  }
0x190: {  	[hbm4b:s7+s4] =	stream.linear.scatter [tilespmem:s28], [sflag:$0x2], $0x8000, $0x38;
	[tilespmem:$0x18300] =	vst v63  }
0x191: {  	_ =	swait.ge [sflag:s30], $0x8000  }
0x192: {  	[sflag:s30] =	ssyncset.done $0x0  }
0x193: {  	s13 =	rddreg [dreg:$0x14];
	[sflag:s30] =	ssyncadd.s32 $0xFFFF8000  }
0x194: {  	[tilespmem:s28], [sflag:$0x1] =	stream.linear.gather [hbm4b:s13+s4], $0x8000, $0x38;
	[tilespmem:$0x18300] =	vst v63  }
0x195: {  	_ =	swait.ge [sflag:s8], $0x8000  }
0x196: {  	[sflag:s8] =	ssyncset.done $0x0  }
0x197: {  	s14 =	rddreg [dreg:$0x11];
	[sflag:s8] =	ssyncadd.s32 $0xFFFF8000  }
0x198: {  	[hbm4b:s14+s4] =	stream.linear.scatter [tilespmem:s29], [sflag:$0x2], $0x8000, $0x38;
	[tilespmem:$0x18300] =	vst v63  }
0x199: {  	_ =	swait.ge [sflag:s30], $0x8000  }
0x19a: {  	[sflag:s30] =	ssyncset.done $0x0  }
0x19b: {  	s15 =	rddreg [dreg:$0x16];
	[sflag:s30] =	ssyncadd.s32 $0xFFFF8000  }
0x19c: {  	[tilespmem:s29], [sflag:$0x1] =	stream.linear.gather [hbm4b:s15+s4], $0x8000, $0x38;
	[tilespmem:$0x18300] =	vst v63  }
0x19d: {  	_ =	swait.ge [sflag:s8], $0x8000  }
0x19e: {  	[sflag:s8] =	ssyncset.done $0x0  }
0x19f: {  	s2 =	rddreg [dreg:$0x13];
	[sflag:s8] =	ssyncadd.s32 $0xFFFF8000  }
0x1a0: {  	[hbm4b:s2+s4] =	stream.linear.scatter [tilespmem:s11], [sflag:$0x2], $0x8000, $0x38;
	[tilespmem:$0x18300] =	vst v63  }
0x1a1: {  	_ =	swait.ge [sflag:s30], $0x8000  }
0x1a2: {  	[sflag:s30] =	ssyncset.done $0x0  }
0x1a3: {  	s5 =	rddreg [dreg:$0x18];
	[sflag:s30] =	ssyncadd.s32 $0xFFFF8000  }
0x1a4: {  	[tilespmem:s11], [sflag:$0x1] =	stream.linear.gather [hbm4b:s5+s4], $0x8000, $0x38;
	[tilespmem:$0x18300] =	vst v63  }
0x1a5: {  	_ =	swait.ge [sflag:s8], $0x8000  }
0x1a6: {  	[sflag:s8] =	ssyncset.done $0x0  }
0x1a7: {  	s7 =	rddreg [dreg:$0x15];
	[sflag:s8] =	ssyncadd.s32 $0xFFFF8000  }
0x1a8: {  	[hbm4b:s7+s4] =	stream.linear.scatter [tilespmem:s28], [sflag:$0x2], $0x8000, $0x38;
	[tilespmem:$0x18300] =	vst v63  }
0x1a9: {  	_ =	swait.ge [sflag:s30], $0x8000  }
0x1aa: {  	[sflag:s30] =	ssyncset.done $0x0  }
0x1ab: {  	s13 =	rddreg [dreg:$0x1a];
	[sflag:s30] =	ssyncadd.s32 $0xFFFF8000  }
0x1ac: {  	[tilespmem:s28], [sflag:$0x1] =	stream.linear.gather [hbm4b:s13+s4], $0x8000, $0x38;
	[tilespmem:$0x18300] =	vst v63  }
0x1ad: {  	_ =	swait.ge [sflag:s8], $0x8000  }
0x1ae: {  	[sflag:s8] =	ssyncset.done $0x0  }
0x1af: {  	s14 =	rddreg [dreg:$0x17];
	[sflag:s8] =	ssyncadd.s32 $0xFFFF8000  }
0x1b0: {  	[hbm4b:s14+s4] =	stream.linear.scatter [tilespmem:s29], [sflag:$0x2], $0x8000, $0x38;
	[tilespmem:$0x18300] =	vst v63  }
0x1b1: {  	_ =	swait.ge [sflag:s30], $0x8000  }
0x1b2: {  	[sflag:s30] =	ssyncset.done $0x0  }
0x1b3: {  	s15 =	rddreg [dreg:$0x1c];
	[sflag:s30] =	ssyncadd.s32 $0xFFFF8000  }
0x1b4: {  	[tilespmem:s29], [sflag:$0x1] =	stream.linear.gather [hbm4b:s15+s4], $0x8000, $0x38;
	[tilespmem:$0x18300] =	vst v63  }
0x1b5: {  	_ =	swait.ge [sflag:s8], $0x8000  }
0x1b6: {  	[sflag:s8] =	ssyncset.done $0x0  }
0x1b7: {  	s2 =	rddreg [dreg:$0x19];
	[sflag:s8] =	ssyncadd.s32 $0xFFFF8000  }
0x1b8: {  	[hbm4b:s2+s4] =	stream.linear.scatter [tilespmem:s11], [sflag:$0x2], $0x8000, $0x38;
	[tilespmem:$0x18300] =	vst v63  }
0x1b9: {  	_ =	swait.ge [sflag:s30], $0x8000  }
0x1ba: {  	[sflag:s30] =	ssyncset.done $0x0  }
0x1bb: {  	s5 =	rddreg [dreg:$0x1f];
	[sflag:s30] =	ssyncadd.s32 $0xFFFF8000  }
0x1bc: {  	[tilespmem:s11], [sflag:$0x1] =	stream.linear.gather [hbm4b:s5+s4], $0x8000, $0x38;
	[tilespmem:$0x18300] =	vst v63  }
0x1bd: {  	_ =	swait.ge [sflag:s8], $0x8000  }
0x1be: {  	[sflag:s8] =	ssyncset.done $0x0  }
0x1bf: {  	s7 =	rddreg [dreg:$0x1b];
	[sflag:s8] =	ssyncadd.s32 $0xFFFF8000  }
0x1c0: {  	[hbm4b:s7+s4] =	stream.linear.scatter [tilespmem:s28], [sflag:$0x2], $0x8000, $0x38;
	[tilespmem:$0x18300] =	vst v63  }
0x1c1: {  	_ =	swait.ge [sflag:s8], $0x8000  }
0x1c2: {  	[sflag:s8] =	ssyncset.done $0x0  }
0x1c3: {  	s13 =	rddreg [dreg:$0x1d];
	[sflag:s8] =	ssyncadd.s32 $0xFFFF8000  }
0x1c4: {  	[hbm4b:s13+s4] =	stream.linear.scatter [tilespmem:s29], [sflag:$0x2], $0x8000, $0x38;
	[tilespmem:$0x18300] =	vst v63  }
0x1c5: {  	_ =	swait.ge [sflag:s8], $0x8000  }
0x1c6: {  	[sflag:s8] =	ssyncset.done $0x0  }
0x1c7: {  	s14 =	rddreg [dreg:$0x1e];
	[sflag:s8] =	ssyncadd.s32 $0xFFFF8000  }
0x1c8: {  	[hbm4b:s14+s4] =	stream.linear.scatter [tilespmem:s11], [sflag:$0x2], $0x8000, $0x38;
	[tilespmem:$0x18300] =	vst v63  }
0x1c9: {  	_ =	swait.ge [sflag:s30], $0x8000  }
0x1ca: {  	[sflag:s30] =	ssyncset.done $0x0  }
0x1cb: {  	[sflag:s30] =	ssyncadd.s32 $0xFFFF8000  }
0x1cc: {  	_ =	swait.ge [sflag:s30], $0x8000  }
0x1cd: {  	[sflag:s30] =	ssyncset.done $0x0  }
0x1ce: {  	[sflag:s30] =	ssyncadd.s32 $0xFFFF8000  }
0x1cf: {  	_ =	swait.ge [sflag:s30], $0x8000  }
0x1d0: {  	s15 =	sld [smem:$0x7FD];
	_ =	sdelay $0x1  }
0x1d1: {  	s31 =	sadd.s32 $0x1, s31  }
0x1d2: {  	p0 =	sne.s32 s31, s15  }
.Ltmp3:
0x1d3: {  	_ = 	snop;
	(pc) =	sbr.rel @p0 .LBB2_1-.Ltmp3, $4  }
.Ltmp4:
0x1d4: {  	_ = 	snop;
	(pc) =	sbr.rel @!p0 .LBB2_7-.Ltmp4, $4  }
0x1d5: {  	_ = 	snop  }
0x1d6: {  	[sflag:s30] =	ssyncset.done $0x0  }
0x1d7: {  	[sflag:s30] =	ssyncadd.s32 $0xFFFF8000  }
0x1d8: {  	_ = 	snop  }
.LBB2_2:
.Ltmp5:
0x1d9: {  	(pc) =	sbr.rel .LBB2_6-.Ltmp5, $2  }
0x1da: {  	_ =	sdelay $0x2  }
0x1db: {  	s0 =	simm.s32 $0x0;
	s5 =	simm.s32 $0x0;
	s7 =	smov.u32 s12  }
.LBB2_4:
.Ltmp6:
0x1dc: {  	(pc) =	sbr.rel .LBB2_6-.Ltmp6, $2  }
0x1dd: {  	_ =	sdelay $0x2  }
0x1de: {  	s5 =	simm.s32 $0x0;
	s7 =	smov.u32 s12  }
.LBB2_7:
0x1df: {  	_ =	sfence.sel $0x180000  }
0x1e0: {  	[bflag:$0x0] =	sbarrier.arrive $0xFFFF  }
0x1e1: {  	_ =	strace $0x90000047  }
0x1e2: {  	s0 =	stileid.u32;
	[bflag:$0x2] =	sbarrier.arrive $0xFFFF  }
0x1e3: {  	p0 =	sne.s32 s0, $0x0;
	s0 =	rddreg [dreg:$0x3]  }
0x1e4: {  	s0 =	sadd.s32 @!p0 $0x100000, s0  }
0x1e5: {  	[sflag:s0] =	ssyncadd.tile.s32 @!p0 $0x1;
	_ =	shalt  }
.Lfunc_end2:
_tile_overlayer_lowered:
.L_overlay_start_2:
0x1e6: {  	(tag) =	ssettag $0x2  }
0x1e7: {  	s0 =	rddreg [dreg:$0x0];
	s2 =	stileid.u32  }
0x1e8: {  	s1 =	rddreg [dreg:$0x1];
	p0 =	sne.s32 s2, $0x0  }
0x1e9: {  	s3 =	rddreg [dreg:$0x2];
	[bflag:$0x3] =	sbarrier.arrive $0xFFFF;
	s2 =	simm.s32 @!p0 $0x1C03  }
0x1ea: {  	[timem:s3], [sflag:s2] =	dma.local @!p0 [hbm:s0], s1  }
0x1eb: {  	s0 =	simm.s32 @!p0 $0x3  }
0x1ec: {  	_ =	swait.ge @!p0 [sflag:s0], s1  }
0x1ed: {  	s1 =	ssub.s32 @!p0 $0x0, s1;
	[sflag:s0] =	ssyncset.done @!p0 $0x0  }
0x1ee: {  	[sflag:s0] =	ssyncadd.s32 @!p0 s1  }
0x1ef: {  	[bflag:$0x3] =	sbarrier.arrive $0xFFFF  }
0x1f0: {  	_ =	shalt  }

</sc_bundles>
